<compile_context>
chip_gen: v7x
topology: tpu7x:2x2x1
jax: 0.10.2.dev20260603
libtpu: 0.0.44.dev20260713+nightly
codegen_flags: <defaults>
</compile_context>

<pallas_src>
import functools
import math

import jax
import jax.numpy as jnp
from jax import lax
from jax.experimental import pallas as pl
from jax.experimental.pallas import tpu as pltpu
from jax.experimental.pallas import tpu_sc as plsc

_AVG_AGG = 32.0
_SCALE = 1.0 / math.sqrt(_AVG_AGG)
_N = 10000
_NC = 2
_NS = 16
_NW = _NC * _NS
_B = 80
_RING = 4
_ZB = 64


def _sc_scatter_partials(x, idx):
    e_total, d = x.shape
    assert d == 128
    assert e_total % (_NW * _B) == 0
    e_per_w = e_total // _NW
    n_iter = e_per_w // _B
    assert n_iter % _RING == 1
    rows_per_tile = (_N // _NS) // 8 * 8
    rows_rem = _N - rows_per_tile * _NS

    mesh = plsc.VectorSubcoreMesh(core_axis_name="c", subcore_axis_name="s")

    @functools.partial(
        pl.kernel,
        mesh=mesh,
        out_type=jax.ShapeDtypeStruct((_NC, _N, d), jnp.float32),
        scratch_types=(
            [pltpu.VMEM((_B,), jnp.int32) for _ in range(_RING)]
            + [pltpu.VMEM((_B, d), jnp.float32) for _ in range(_RING)]
            + [pltpu.VMEM((_ZB, d), jnp.float32)]
            + [pltpu.VMEM_SHARED((_N, d), jnp.float32)]
            + [pltpu.SemaphoreType.DMA for _ in range(_RING + 1)]
        ),
    )
    def scatter_kernel(x_hbm, idx_hbm, out_hbm, *refs):
        idx_v = refs[:_RING]
        rows_v = refs[_RING:2 * _RING]
        zero_v = refs[2 * _RING]
        acc_sh = refs[2 * _RING + 1]
        sems = refs[2 * _RING + 2:3 * _RING + 2]
        sem_z = refs[3 * _RING + 2]

        cid = lax.axis_index("c")
        sid = lax.axis_index("s")
        wid = cid * _NS + sid
        ebase = wid * e_per_w

        def start_loads(g, b):
            pltpu.async_copy(idx_hbm.at[pl.ds(ebase + g * _B, _B)],
                             idx_v[b], sems[b])
            pltpu.async_copy(x_hbm.at[pl.ds(ebase + g * _B, _B)],
                             rows_v[b], sems[b])

        def wait_loads(g, b):
            pltpu.make_async_copy(idx_hbm.at[pl.ds(ebase + g * _B, _B)],
                                  idx_v[b], sems[b]).wait()
            pltpu.make_async_copy(x_hbm.at[pl.ds(ebase + g * _B, _B)],
                                  rows_v[b], sems[b]).wait()

        for b in range(_RING):
            start_loads(b, b)

        zeros16 = jnp.zeros((16,), jnp.float32)

        def zero_row(i, _):
            for j in range(d // 16):
                zero_v[i, pl.ds(j * 16, 16)] = zeros16
            return 0

        lax.fori_loop(0, _ZB, zero_row, 0)

        zbase = sid * rows_per_tile
        full, rem = divmod(rows_per_tile, _ZB)
        zcopies = []
        for k in range(full):
            zcopies.append(pltpu.async_copy(
                zero_v, acc_sh.at[pl.ds(zbase + k * _ZB, _ZB)], sem_z))
        if rem:
            zcopies.append(pltpu.async_copy(
                zero_v.at[pl.ds(0, rem)],
                acc_sh.at[pl.ds(zbase + full * _ZB, rem)], sem_z))

        @pl.when(sid == 0)
        def _zero_tail():
            pltpu.async_copy(
                zero_v.at[pl.ds(0, rows_rem)],
                acc_sh.at[pl.ds(rows_per_tile * _NS, rows_rem)],
                sem_z).wait()

        for c in zcopies:
            c.wait()
        plsc.subcore_barrier()

        @pl.loop(0, n_iter - 1, step=_RING)
        def _ring(i):
            for b in range(_RING):
                g = i + b
                wait_loads(g, b)
                pltpu.sync_copy(rows_v[b], acc_sh.at[idx_v[b]], add=True)

                @pl.when(g + _RING < n_iter)
                def _prefetch():
                    start_loads(g + _RING, b)

        g_last = n_iter - 1
        wait_loads(g_last, 0)
        pltpu.sync_copy(rows_v[0], acc_sh.at[idx_v[0]], add=True)
        plsc.subcore_barrier()

        obase = sid * rows_per_tile
        pltpu.sync_copy(
            acc_sh.at[pl.ds(obase, rows_per_tile)],
            out_hbm.at[cid, pl.ds(obase, rows_per_tile)],
        )

        @pl.when(sid == 0)
        def _write_tail():
            pltpu.sync_copy(
                acc_sh.at[pl.ds(rows_per_tile * _NS, rows_rem)],
                out_hbm.at[cid, pl.ds(rows_per_tile * _NS, rows_rem)],
            )

    return scatter_kernel(x, idx)


def _combine(p_ref, o_ref):
    o_ref[...] = (p_ref[0] + p_ref[1]) * _SCALE


def kernel(x, index):
    idx = index.astype(jnp.int32)
    partials = _sc_scatter_partials(x, idx)
    n, d = _N, x.shape[1]
    blk = 5000
    out = pl.pallas_call(
        _combine,
        grid=(n // blk,),
        in_specs=[pl.BlockSpec((_NC, blk, d), lambda i: (0, i, 0))],
        out_specs=pl.BlockSpec((blk, d), lambda i: (i, 0)),
        out_shape=jax.ShapeDtypeStruct((n, d), jnp.float32),
    )(partials)
    return out

# --- scband reference (transcript-rebuilt; emitter-appended) ---
"""Pipeline reference for scband-scaled-scatter-65876208386284 (READ-ONLY COPY).

The authoritative reference and input builder live on the scoring server;
editing this copy changes nothing except your own understanding.
"""

import jax, jax.numpy as jnp
import numpy as np
import math

AVG_AGGREGATE_NUM = 32.0
NUM_NODES = 10000

def setup_inputs(seed: int = 0) -> dict:
    key = jax.random.key(seed)
    k1, k2 = jax.random.split(key)
    x = jax.random.normal(k1, (320000, 128), dtype=jnp.float32)
    index = jax.random.randint(k2, (320000,), 0, NUM_NODES, dtype=jnp.int64)
    return {"x": x, "index": index}

def reference(x, index):
    # scatter(x, index, dim=0, dim_size=NUM_NODES, reduce='sum') then scale by 1/sqrt(avg_aggregate_num)
    out = jax.ops.segment_sum(x, index, num_segments=NUM_NODES)
    return out / (AVG_AGGREGATE_NUM ** 0.5)

if __name__ == "__main__":
    import jax
    _d = setup_inputs()
    print(jax.jit(kernel)(*tuple(_d.values())))

</pallas_src>

<mosaic_0001>
#map = affine_map<(d0, d1) -> (0, 0)>
#map1 = affine_map<(d0, d1) -> (0)>
#map2 = affine_map<(d0, d1) -> (0, 0, 0)>
module attributes {stable_mosaic.version = 14 : i64} {
  func.func @scatter_kernel(%arg0: i32, %arg1: i32, %arg2: memref<320000x128xf32, #tpu.memory_space<hbm>>, %arg3: memref<320000xi32, #tpu.memory_space<hbm>>, %arg4: memref<2x10000x128xf32, #tpu.memory_space<hbm>>, %arg5: memref<80xi32, #tpu.memory_space<vmem>>, %arg6: memref<80xi32, #tpu.memory_space<vmem>>, %arg7: memref<80xi32, #tpu.memory_space<vmem>>, %arg8: memref<80xi32, #tpu.memory_space<vmem>>, %arg9: memref<80x128xf32, #tpu.memory_space<vmem>>, %arg10: memref<80x128xf32, #tpu.memory_space<vmem>>, %arg11: memref<80x128xf32, #tpu.memory_space<vmem>>, %arg12: memref<80x128xf32, #tpu.memory_space<vmem>>, %arg13: memref<64x128xf32, #tpu.memory_space<vmem>>, %arg14: memref<10000x128xf32, #tpu.memory_space<vmem_shared>>, %arg15: memref<!tpu.dma_semaphore, #tpu.memory_space<semaphore_mem>>, %arg16: memref<!tpu.dma_semaphore, #tpu.memory_space<semaphore_mem>>, %arg17: memref<!tpu.dma_semaphore, #tpu.memory_space<semaphore_mem>>, %arg18: memref<!tpu.dma_semaphore, #tpu.memory_space<semaphore_mem>>, %arg19: memref<!tpu.dma_semaphore, #tpu.memory_space<semaphore_mem>>) attributes {dimension_semantics = [#tpu.dimension_semantics<core_parallel>, #tpu.dimension_semantics<subcore_parallel>], iteration_bounds = array<i64: 2, 16>, scalar_prefetch = 0 : i64, scratch_operands = 15 : i64, tpu.core_type = #tpu.core_type<sc_vector_subcore>, window_params = [{transform_indices = #map}, {transform_indices = #map1}, {transform_indices = #map2}]} {
    %mul3A = arith.constant 16 : i32
    %mul3A_0 = arith.muli %arg0, %mul3A : i32
    %add3A = arith.addi %mul3A_0, %arg1 : i32
    %mul3A_1 = arith.constant 10000 : i32
    %mul3A_2 = arith.muli %add3A, %mul3A_1 : i32
    %add3A_3 = arith.constant 0 : i32
    %add3A_4 = arith.addi %mul3A_2, %add3A_3 : i32
    %dma_start3A = tpu.memref_slice %arg3[%add3A_4] : memref<320000xi32, #tpu.memory_space<hbm>> -> memref<80xi32, #tpu.memory_space<hbm>>
    %dma_start3A_5 = tpu.memref_slice %arg3[%add3A_4] : memref<320000xi32, #tpu.memory_space<hbm>> -> memref<80xi32, #tpu.memory_space<hbm>>
    tpu.enqueue_dma source(%dma_start3A_5 : memref<80xi32, #tpu.memory_space<hbm>>) target(%arg5 : memref<80xi32, #tpu.memory_space<vmem>>) target_semaphore(%arg15 : memref<!tpu.dma_semaphore, #tpu.memory_space<semaphore_mem>>)
    %add3A_6 = arith.constant 0 : i32
    %add3A_7 = arith.addi %mul3A_2, %add3A_6 : i32
    %dma_start3A_8 = arith.constant 0 : i32
    %dma_start3A_9 = tpu.memref_slice %arg2[%add3A_7, %dma_start3A_8] : memref<320000x128xf32, #tpu.memory_space<hbm>> -> memref<80x128xf32, #tpu.memory_space<hbm>>
    %dma_start3A_10 = arith.constant 0 : i32
    %dma_start3A_11 = tpu.memref_slice %arg2[%add3A_7, %dma_start3A_10] : memref<320000x128xf32, #tpu.memory_space<hbm>> -> memref<80x128xf32, #tpu.memory_space<hbm>>
    tpu.enqueue_dma source(%dma_start3A_11 : memref<80x128xf32, #tpu.memory_space<hbm>>) target(%arg9 : memref<80x128xf32, #tpu.memory_space<vmem>>) target_semaphore(%arg15 : memref<!tpu.dma_semaphore, #tpu.memory_space<semaphore_mem>>)
    %add3A_12 = arith.constant 80 : i32
    %add3A_13 = arith.addi %mul3A_2, %add3A_12 : i32
    %dma_start3A_14 = tpu.memref_slice %arg3[%add3A_13] : memref<320000xi32, #tpu.memory_space<hbm>> -> memref<80xi32, #tpu.memory_space<hbm>>
    %dma_start3A_15 = tpu.memref_slice %arg3[%add3A_13] : memref<320000xi32, #tpu.memory_space<hbm>> -> memref<80xi32, #tpu.memory_space<hbm>>
    tpu.enqueue_dma source(%dma_start3A_15 : memref<80xi32, #tpu.memory_space<hbm>>) target(%arg6 : memref<80xi32, #tpu.memory_space<vmem>>) target_semaphore(%arg16 : memref<!tpu.dma_semaphore, #tpu.memory_space<semaphore_mem>>)
    %add3A_16 = arith.constant 80 : i32
    %add3A_17 = arith.addi %mul3A_2, %add3A_16 : i32
    %dma_start3A_18 = arith.constant 0 : i32
    %dma_start3A_19 = tpu.memref_slice %arg2[%add3A_17, %dma_start3A_18] : memref<320000x128xf32, #tpu.memory_space<hbm>> -> memref<80x128xf32, #tpu.memory_space<hbm>>
    %dma_start3A_20 = arith.constant 0 : i32
    %dma_start3A_21 = tpu.memref_slice %arg2[%add3A_17, %dma_start3A_20] : memref<320000x128xf32, #tpu.memory_space<hbm>> -> memref<80x128xf32, #tpu.memory_space<hbm>>
    tpu.enqueue_dma source(%dma_start3A_21 : memref<80x128xf32, #tpu.memory_space<hbm>>) target(%arg10 : memref<80x128xf32, #tpu.memory_space<vmem>>) target_semaphore(%arg16 : memref<!tpu.dma_semaphore, #tpu.memory_space<semaphore_mem>>)
    %add3A_22 = arith.constant 160 : i32
    %add3A_23 = arith.addi %mul3A_2, %add3A_22 : i32
    %dma_start3A_24 = tpu.memref_slice %arg3[%add3A_23] : memref<320000xi32, #tpu.memory_space<hbm>> -> memref<80xi32, #tpu.memory_space<hbm>>
    %dma_start3A_25 = tpu.memref_slice %arg3[%add3A_23] : memref<320000xi32, #tpu.memory_space<hbm>> -> memref<80xi32, #tpu.memory_space<hbm>>
    tpu.enqueue_dma source(%dma_start3A_25 : memref<80xi32, #tpu.memory_space<hbm>>) target(%arg7 : memref<80xi32, #tpu.memory_space<vmem>>) target_semaphore(%arg17 : memref<!tpu.dma_semaphore, #tpu.memory_space<semaphore_mem>>)
    %add3A_26 = arith.constant 160 : i32
    %add3A_27 = arith.addi %mul3A_2, %add3A_26 : i32
    %dma_start3A_28 = arith.constant 0 : i32
    %dma_start3A_29 = tpu.memref_slice %arg2[%add3A_27, %dma_start3A_28] : memref<320000x128xf32, #tpu.memory_space<hbm>> -> memref<80x128xf32, #tpu.memory_space<hbm>>
    %dma_start3A_30 = arith.constant 0 : i32
    %dma_start3A_31 = tpu.memref_slice %arg2[%add3A_27, %dma_start3A_30] : memref<320000x128xf32, #tpu.memory_space<hbm>> -> memref<80x128xf32, #tpu.memory_space<hbm>>
    tpu.enqueue_dma source(%dma_start3A_31 : memref<80x128xf32, #tpu.memory_space<hbm>>) target(%arg11 : memref<80x128xf32, #tpu.memory_space<vmem>>) target_semaphore(%arg17 : memref<!tpu.dma_semaphore, #tpu.memory_space<semaphore_mem>>)
    %add3A_32 = arith.constant 240 : i32
    %add3A_33 = arith.addi %mul3A_2, %add3A_32 : i32
    %dma_start3A_34 = tpu.memref_slice %arg3[%add3A_33] : memref<320000xi32, #tpu.memory_space<hbm>> -> memref<80xi32, #tpu.memory_space<hbm>>
    %dma_start3A_35 = tpu.memref_slice %arg3[%add3A_33] : memref<320000xi32, #tpu.memory_space<hbm>> -> memref<80xi32, #tpu.memory_space<hbm>>
    tpu.enqueue_dma source(%dma_start3A_35 : memref<80xi32, #tpu.memory_space<hbm>>) target(%arg8 : memref<80xi32, #tpu.memory_space<vmem>>) target_semaphore(%arg18 : memref<!tpu.dma_semaphore, #tpu.memory_space<semaphore_mem>>)
    %add3A_36 = arith.constant 240 : i32
    %add3A_37 = arith.addi %mul3A_2, %add3A_36 : i32
    %dma_start3A_38 = arith.constant 0 : i32
    %dma_start3A_39 = tpu.memref_slice %arg2[%add3A_37, %dma_start3A_38] : memref<320000x128xf32, #tpu.memory_space<hbm>> -> memref<80x128xf32, #tpu.memory_space<hbm>>
    %dma_start3A_40 = arith.constant 0 : i32
    %dma_start3A_41 = tpu.memref_slice %arg2[%add3A_37, %dma_start3A_40] : memref<320000x128xf32, #tpu.memory_space<hbm>> -> memref<80x128xf32, #tpu.memory_space<hbm>>
    tpu.enqueue_dma source(%dma_start3A_41 : memref<80x128xf32, #tpu.memory_space<hbm>>) target(%arg12 : memref<80x128xf32, #tpu.memory_space<vmem>>) target_semaphore(%arg18 : memref<!tpu.dma_semaphore, #tpu.memory_space<semaphore_mem>>)
    %broadcast_in_dim3A = arith.constant 0.000000e+00 : f32
    %broadcast_in_dim3A_42 = vector.broadcast %broadcast_in_dim3A : f32 to vector<16xf32>
    %scan3A = arith.constant 0 : i32
    %scan3A_43 = arith.constant 0 : i32
    %scan3A_44 = arith.constant 64 : i32
    %scan3A_45 = arith.addi %scan3A_43, %scan3A_44 : i32
    %scan3A_46 = arith.constant 1 : i32
    %scan3A_47 = scf.for %scan3A_187 = %scan3A_43 to %scan3A_45 step %scan3A_46 iter_args(%scan3A_188 = %scan3A) -> (i32)  : i32 {
      %swap3A = arith.index_cast %scan3A_187 : i32 to index
      %swap3A_189 = arith.constant 0 : index
      %swap3A_190 = tpu.vector_load %arg13[%swap3A, %swap3A_189] {strides = array<i32>} : memref<64x128xf32, #tpu.memory_space<vmem>>, vector<1x16xf32>,
      %swap3A_191 = vector.shape_cast %swap3A_190 : vector<1x16xf32> to vector<16xf32>
      %swap3A_192 = vector.shape_cast %broadcast_in_dim3A_42 : vector<16xf32> to vector<1x16xf32>
      tpu.vector_store %arg13[%swap3A, %swap3A_189], %swap3A_192 {strides = array<i32>} : memref<64x128xf32, #tpu.memory_space<vmem>>, vector<1x16xf32>,
      %swap3A_193 = arith.index_cast %scan3A_187 : i32 to index
      %swap3A_194 = arith.constant 16 : index
      %swap3A_195 = tpu.vector_load %arg13[%swap3A_193, %swap3A_194] {strides = array<i32>} : memref<64x128xf32, #tpu.memory_space<vmem>>, vector<1x16xf32>,
      %swap3A_196 = vector.shape_cast %swap3A_195 : vector<1x16xf32> to vector<16xf32>
      %swap3A_197 = vector.shape_cast %broadcast_in_dim3A_42 : vector<16xf32> to vector<1x16xf32>
      tpu.vector_store %arg13[%swap3A_193, %swap3A_194], %swap3A_197 {strides = array<i32>} : memref<64x128xf32, #tpu.memory_space<vmem>>, vector<1x16xf32>,
      %swap3A_198 = arith.index_cast %scan3A_187 : i32 to index
      %swap3A_199 = arith.constant 32 : index
      %swap3A_200 = tpu.vector_load %arg13[%swap3A_198, %swap3A_199] {strides = array<i32>} : memref<64x128xf32, #tpu.memory_space<vmem>>, vector<1x16xf32>,
      %swap3A_201 = vector.shape_cast %swap3A_200 : vector<1x16xf32> to vector<16xf32>
      %swap3A_202 = vector.shape_cast %broadcast_in_dim3A_42 : vector<16xf32> to vector<1x16xf32>
      tpu.vector_store %arg13[%swap3A_198, %swap3A_199], %swap3A_202 {strides = array<i32>} : memref<64x128xf32, #tpu.memory_space<vmem>>, vector<1x16xf32>,
      %swap3A_203 = arith.index_cast %scan3A_187 : i32 to index
      %swap3A_204 = arith.constant 48 : index
      %swap3A_205 = tpu.vector_load %arg13[%swap3A_203, %swap3A_204] {strides = array<i32>} : memref<64x128xf32, #tpu.memory_space<vmem>>, vector<1x16xf32>,
      %swap3A_206 = vector.shape_cast %swap3A_205 : vector<1x16xf32> to vector<16xf32>
      %swap3A_207 = vector.shape_cast %broadcast_in_dim3A_42 : vector<16xf32> to vector<1x16xf32>
      tpu.vector_store %arg13[%swap3A_203, %swap3A_204], %swap3A_207 {strides = array<i32>} : memref<64x128xf32, #tpu.memory_space<vmem>>, vector<1x16xf32>,
      %swap3A_208 = arith.index_cast %scan3A_187 : i32 to index
      %swap3A_209 = arith.constant 64 : index
      %swap3A_210 = tpu.vector_load %arg13[%swap3A_208, %swap3A_209] {strides = array<i32>} : memref<64x128xf32, #tpu.memory_space<vmem>>, vector<1x16xf32>,
      %swap3A_211 = vector.shape_cast %swap3A_210 : vector<1x16xf32> to vector<16xf32>
      %swap3A_212 = vector.shape_cast %broadcast_in_dim3A_42 : vector<16xf32> to vector<1x16xf32>
      tpu.vector_store %arg13[%swap3A_208, %swap3A_209], %swap3A_212 {strides = array<i32>} : memref<64x128xf32, #tpu.memory_space<vmem>>, vector<1x16xf32>,
      %swap3A_213 = arith.index_cast %scan3A_187 : i32 to index
      %swap3A_214 = arith.constant 80 : index
      %swap3A_215 = tpu.vector_load %arg13[%swap3A_213, %swap3A_214] {strides = array<i32>} : memref<64x128xf32, #tpu.memory_space<vmem>>, vector<1x16xf32>,
      %swap3A_216 = vector.shape_cast %swap3A_215 : vector<1x16xf32> to vector<16xf32>
      %swap3A_217 = vector.shape_cast %broadcast_in_dim3A_42 : vector<16xf32> to vector<1x16xf32>
      tpu.vector_store %arg13[%swap3A_213, %swap3A_214], %swap3A_217 {strides = array<i32>} : memref<64x128xf32, #tpu.memory_space<vmem>>, vector<1x16xf32>,
      %swap3A_218 = arith.index_cast %scan3A_187 : i32 to index
      %swap3A_219 = arith.constant 96 : index
      %swap3A_220 = tpu.vector_load %arg13[%swap3A_218, %swap3A_219] {strides = array<i32>} : memref<64x128xf32, #tpu.memory_space<vmem>>, vector<1x16xf32>,
      %swap3A_221 = vector.shape_cast %swap3A_220 : vector<1x16xf32> to vector<16xf32>
      %swap3A_222 = vector.shape_cast %broadcast_in_dim3A_42 : vector<16xf32> to vector<1x16xf32>
      tpu.vector_store %arg13[%swap3A_218, %swap3A_219], %swap3A_222 {strides = array<i32>} : memref<64x128xf32, #tpu.memory_space<vmem>>, vector<1x16xf32>,
      %swap3A_223 = arith.index_cast %scan3A_187 : i32 to index
      %swap3A_224 = arith.constant 112 : index
      %swap3A_225 = tpu.vector_load %arg13[%swap3A_223, %swap3A_224] {strides = array<i32>} : memref<64x128xf32, #tpu.memory_space<vmem>>, vector<1x16xf32>,
      %swap3A_226 = vector.shape_cast %swap3A_225 : vector<1x16xf32> to vector<16xf32>
      %swap3A_227 = vector.shape_cast %broadcast_in_dim3A_42 : vector<16xf32> to vector<1x16xf32>
      tpu.vector_store %arg13[%swap3A_223, %swap3A_224], %swap3A_227 {strides = array<i32>} : memref<64x128xf32, #tpu.memory_space<vmem>>, vector<1x16xf32>,
      %scan3A_228 = arith.constant 0 : i32
      scf.yield %scan3A_228 : i32
    }
    %scan3A_48 = arith.constant 64 : i32
    %mul3A_49 = arith.constant 624 : i32
    %mul3A_50 = arith.muli %arg1, %mul3A_49 : i32
    %add3A_51 = arith.constant 0 : i32
    %add3A_52 = arith.addi %mul3A_50, %add3A_51 : i32
    %dma_start3A_53 = arith.constant 0 : i32
    %dma_start3A_54 = tpu.memref_slice %arg14[%add3A_52, %dma_start3A_53] : memref<10000x128xf32, #tpu.memory_space<vmem_shared>> -> memref<64x128xf32, #tpu.memory_space<vmem_shared>>
    %dma_start3A_55 = arith.constant 0 : i32
    %dma_start3A_56 = tpu.memref_slice %arg14[%add3A_52, %dma_start3A_55] : memref<10000x128xf32, #tpu.memory_space<vmem_shared>> -> memref<64x128xf32, #tpu.memory_space<vmem_shared>>
    tpu.enqueue_dma source(%arg13 : memref<64x128xf32, #tpu.memory_space<vmem>>) target(%dma_start3A_56 : memref<64x128xf32, #tpu.memory_space<vmem_shared>>) target_semaphore(%arg19 : memref<!tpu.dma_semaphore, #tpu.memory_space<semaphore_mem>>)
    %add3A_57 = arith.constant 64 : i32
    %add3A_58 = arith.addi %mul3A_50, %add3A_57 : i32
    %dma_start3A_59 = arith.constant 0 : i32
    %dma_start3A_60 = tpu.memref_slice %arg14[%add3A_58, %dma_start3A_59] : memref<10000x128xf32, #tpu.memory_space<vmem_shared>> -> memref<64x128xf32, #tpu.memory_space<vmem_shared>>
    %dma_start3A_61 = arith.constant 0 : i32
    %dma_start3A_62 = tpu.memref_slice %arg14[%add3A_58, %dma_start3A_61] : memref<10000x128xf32, #tpu.memory_space<vmem_shared>> -> memref<64x128xf32, #tpu.memory_space<vmem_shared>>
    tpu.enqueue_dma source(%arg13 : memref<64x128xf32, #tpu.memory_space<vmem>>) target(%dma_start3A_62 : memref<64x128xf32, #tpu.memory_space<vmem_shared>>) target_semaphore(%arg19 : memref<!tpu.dma_semaphore, #tpu.memory_space<semaphore_mem>>)
    %add3A_63 = arith.constant 128 : i32
    %add3A_64 = arith.addi %mul3A_50, %add3A_63 : i32
    %dma_start3A_65 = arith.constant 0 : i32
    %dma_start3A_66 = tpu.memref_slice %arg14[%add3A_64, %dma_start3A_65] : memref<10000x128xf32, #tpu.memory_space<vmem_shared>> -> memref<64x128xf32, #tpu.memory_space<vmem_shared>>
    %dma_start3A_67 = arith.constant 0 : i32
    %dma_start3A_68 = tpu.memref_slice %arg14[%add3A_64, %dma_start3A_67] : memref<10000x128xf32, #tpu.memory_space<vmem_shared>> -> memref<64x128xf32, #tpu.memory_space<vmem_shared>>
    tpu.enqueue_dma source(%arg13 : memref<64x128xf32, #tpu.memory_space<vmem>>) target(%dma_start3A_68 : memref<64x128xf32, #tpu.memory_space<vmem_shared>>) target_semaphore(%arg19 : memref<!tpu.dma_semaphore, #tpu.memory_space<semaphore_mem>>)
    %add3A_69 = arith.constant 192 : i32
    %add3A_70 = arith.addi %mul3A_50, %add3A_69 : i32
    %dma_start3A_71 = arith.constant 0 : i32
    %dma_start3A_72 = tpu.memref_slice %arg14[%add3A_70, %dma_start3A_71] : memref<10000x128xf32, #tpu.memory_space<vmem_shared>> -> memref<64x128xf32, #tpu.memory_space<vmem_shared>>
    %dma_start3A_73 = arith.constant 0 : i32
    %dma_start3A_74 = tpu.memref_slice %arg14[%add3A_70, %dma_start3A_73] : memref<10000x128xf32, #tpu.memory_space<vmem_shared>> -> memref<64x128xf32, #tpu.memory_space<vmem_shared>>
    tpu.enqueue_dma source(%arg13 : memref<64x128xf32, #tpu.memory_space<vmem>>) target(%dma_start3A_74 : memref<64x128xf32, #tpu.memory_space<vmem_shared>>) target_semaphore(%arg19 : memref<!tpu.dma_semaphore, #tpu.memory_space<semaphore_mem>>)
    %add3A_75 = arith.constant 256 : i32
    %add3A_76 = arith.addi %mul3A_50, %add3A_75 : i32
    %dma_start3A_77 = arith.constant 0 : i32
    %dma_start3A_78 = tpu.memref_slice %arg14[%add3A_76, %dma_start3A_77] : memref<10000x128xf32, #tpu.memory_space<vmem_shared>> -> memref<64x128xf32, #tpu.memory_space<vmem_shared>>
    %dma_start3A_79 = arith.constant 0 : i32
    %dma_start3A_80 = tpu.memref_slice %arg14[%add3A_76, %dma_start3A_79] : memref<10000x128xf32, #tpu.memory_space<vmem_shared>> -> memref<64x128xf32, #tpu.memory_space<vmem_shared>>
    tpu.enqueue_dma source(%arg13 : memref<64x128xf32, #tpu.memory_space<vmem>>) target(%dma_start3A_80 : memref<64x128xf32, #tpu.memory_space<vmem_shared>>) target_semaphore(%arg19 : memref<!tpu.dma_semaphore, #tpu.memory_space<semaphore_mem>>)
    %add3A_81 = arith.constant 320 : i32
    %add3A_82 = arith.addi %mul3A_50, %add3A_81 : i32
    %dma_start3A_83 = arith.constant 0 : i32
    %dma_start3A_84 = tpu.memref_slice %arg14[%add3A_82, %dma_start3A_83] : memref<10000x128xf32, #tpu.memory_space<vmem_shared>> -> memref<64x128xf32, #tpu.memory_space<vmem_shared>>
    %dma_start3A_85 = arith.constant 0 : i32
    %dma_start3A_86 = tpu.memref_slice %arg14[%add3A_82, %dma_start3A_85] : memref<10000x128xf32, #tpu.memory_space<vmem_shared>> -> memref<64x128xf32, #tpu.memory_space<vmem_shared>>
    tpu.enqueue_dma source(%arg13 : memref<64x128xf32, #tpu.memory_space<vmem>>) target(%dma_start3A_86 : memref<64x128xf32, #tpu.memory_space<vmem_shared>>) target_semaphore(%arg19 : memref<!tpu.dma_semaphore, #tpu.memory_space<semaphore_mem>>)
    %add3A_87 = arith.constant 384 : i32
    %add3A_88 = arith.addi %mul3A_50, %add3A_87 : i32
    %dma_start3A_89 = arith.constant 0 : i32
    %dma_start3A_90 = tpu.memref_slice %arg14[%add3A_88, %dma_start3A_89] : memref<10000x128xf32, #tpu.memory_space<vmem_shared>> -> memref<64x128xf32, #tpu.memory_space<vmem_shared>>
    %dma_start3A_91 = arith.constant 0 : i32
    %dma_start3A_92 = tpu.memref_slice %arg14[%add3A_88, %dma_start3A_91] : memref<10000x128xf32, #tpu.memory_space<vmem_shared>> -> memref<64x128xf32, #tpu.memory_space<vmem_shared>>
    tpu.enqueue_dma source(%arg13 : memref<64x128xf32, #tpu.memory_space<vmem>>) target(%dma_start3A_92 : memref<64x128xf32, #tpu.memory_space<vmem_shared>>) target_semaphore(%arg19 : memref<!tpu.dma_semaphore, #tpu.memory_space<semaphore_mem>>)
    %add3A_93 = arith.constant 448 : i32
    %add3A_94 = arith.addi %mul3A_50, %add3A_93 : i32
    %dma_start3A_95 = arith.constant 0 : i32
    %dma_start3A_96 = tpu.memref_slice %arg14[%add3A_94, %dma_start3A_95] : memref<10000x128xf32, #tpu.memory_space<vmem_shared>> -> memref<64x128xf32, #tpu.memory_space<vmem_shared>>
    %dma_start3A_97 = arith.constant 0 : i32
    %dma_start3A_98 = tpu.memref_slice %arg14[%add3A_94, %dma_start3A_97] : memref<10000x128xf32, #tpu.memory_space<vmem_shared>> -> memref<64x128xf32, #tpu.memory_space<vmem_shared>>
    tpu.enqueue_dma source(%arg13 : memref<64x128xf32, #tpu.memory_space<vmem>>) target(%dma_start3A_98 : memref<64x128xf32, #tpu.memory_space<vmem_shared>>) target_semaphore(%arg19 : memref<!tpu.dma_semaphore, #tpu.memory_space<semaphore_mem>>)
    %add3A_99 = arith.constant 512 : i32
    %add3A_100 = arith.addi %mul3A_50, %add3A_99 : i32
    %dma_start3A_101 = arith.constant 0 : i32
    %dma_start3A_102 = tpu.memref_slice %arg14[%add3A_100, %dma_start3A_101] : memref<10000x128xf32, #tpu.memory_space<vmem_shared>> -> memref<64x128xf32, #tpu.memory_space<vmem_shared>>
    %dma_start3A_103 = arith.constant 0 : i32
    %dma_start3A_104 = tpu.memref_slice %arg14[%add3A_100, %dma_start3A_103] : memref<10000x128xf32, #tpu.memory_space<vmem_shared>> -> memref<64x128xf32, #tpu.memory_space<vmem_shared>>
    tpu.enqueue_dma source(%arg13 : memref<64x128xf32, #tpu.memory_space<vmem>>) target(%dma_start3A_104 : memref<64x128xf32, #tpu.memory_space<vmem_shared>>) target_semaphore(%arg19 : memref<!tpu.dma_semaphore, #tpu.memory_space<semaphore_mem>>)
    %add3A_105 = arith.constant 576 : i32
    %add3A_106 = arith.addi %mul3A_50, %add3A_105 : i32
    %dma_start3A_107 = arith.constant 0 : i32
    %dma_start3A_108 = arith.constant 0 : i32
    %dma_start3A_109 = tpu.memref_slice %arg13[%dma_start3A_107, %dma_start3A_108] : memref<64x128xf32, #tpu.memory_space<vmem>> -> memref<48x128xf32, #tpu.memory_space<vmem>>
    %dma_start3A_110 = arith.constant 0 : i32
    %dma_start3A_111 = tpu.memref_slice %arg14[%add3A_106, %dma_start3A_110] : memref<10000x128xf32, #tpu.memory_space<vmem_shared>> -> memref<48x128xf32, #tpu.memory_space<vmem_shared>>
    %dma_start3A_112 = arith.constant 0 : i32
    %dma_start3A_113 = tpu.memref_slice %arg14[%add3A_106, %dma_start3A_112] : memref<10000x128xf32, #tpu.memory_space<vmem_shared>> -> memref<48x128xf32, #tpu.memory_space<vmem_shared>>
    %dma_start3A_114 = arith.constant 0 : i32
    %dma_start3A_115 = arith.constant 0 : i32
    %dma_start3A_116 = tpu.memref_slice %arg13[%dma_start3A_114, %dma_start3A_115] : memref<64x128xf32, #tpu.memory_space<vmem>> -> memref<48x128xf32, #tpu.memory_space<vmem>>
    tpu.enqueue_dma source(%dma_start3A_116 : memref<48x128xf32, #tpu.memory_space<vmem>>) target(%dma_start3A_113 : memref<48x128xf32, #tpu.memory_space<vmem_shared>>) target_semaphore(%arg19 : memref<!tpu.dma_semaphore, #tpu.memory_space<semaphore_mem>>)
    %eq3A = arith.constant 0 : i32
    %eq3A_117 = arith.cmpi eq, %arg1, %eq3A : i32
    %convert_element_type3A = arith.extui %eq3A_117 : i1 to i32
    %cond3A = arith.constant 0 : i32
    %cond3A_118 = arith.cmpi ne, %convert_element_type3A, %cond3A : i32
    scf.if %cond3A_118 {
      %dma_start3A_187 = arith.constant 0 : i32
      %dma_start3A_188 = arith.constant 0 : i32
      %dma_start3A_189 = tpu.memref_slice %arg13[%dma_start3A_187, %dma_start3A_188] : memref<64x128xf32, #tpu.memory_space<vmem>> -> memref<16x128xf32, #tpu.memory_space<vmem>>
      %dma_start3A_190 = arith.constant 9984 : i32
      %dma_start3A_191 = arith.constant 0 : i32
      %dma_start3A_192 = tpu.memref_slice %arg14[%dma_start3A_190, %dma_start3A_191] : memref<10000x128xf32, #tpu.memory_space<vmem_shared>> -> memref<16x128xf32, #tpu.memory_space<vmem_shared>>
      %dma_start3A_193 = arith.constant 9984 : i32
      %dma_start3A_194 = arith.constant 0 : i32
      %dma_start3A_195 = tpu.memref_slice %arg14[%dma_start3A_193, %dma_start3A_194] : memref<10000x128xf32, #tpu.memory_space<vmem_shared>> -> memref<16x128xf32, #tpu.memory_space<vmem_shared>>
      %dma_start3A_196 = arith.constant 0 : i32
      %dma_start3A_197 = arith.constant 0 : i32
      %dma_start3A_198 = tpu.memref_slice %arg13[%dma_start3A_196, %dma_start3A_197] : memref<64x128xf32, #tpu.memory_space<vmem>> -> memref<16x128xf32, #tpu.memory_space<vmem>>
      tpu.enqueue_dma source(%dma_start3A_198 : memref<16x128xf32, #tpu.memory_space<vmem>>) target(%dma_start3A_195 : memref<16x128xf32, #tpu.memory_space<vmem_shared>>) target_semaphore(%arg19 : memref<!tpu.dma_semaphore, #tpu.memory_space<semaphore_mem>>)
      %dma_wait3A_199 = arith.constant 0 : i32
      %dma_wait3A_200 = arith.constant 0 : i32
      %dma_wait3A_201 = tpu.memref_slice %arg13[%dma_wait3A_199, %dma_wait3A_200] : memref<64x128xf32, #tpu.memory_space<vmem>> -> memref<16x128xf32, #tpu.memory_space<vmem>>
      %dma_wait3A_202 = arith.constant 9984 : i32
      %dma_wait3A_203 = arith.constant 0 : i32
      %dma_wait3A_204 = tpu.memref_slice %arg14[%dma_wait3A_202, %dma_wait3A_203] : memref<10000x128xf32, #tpu.memory_space<vmem_shared>> -> memref<16x128xf32, #tpu.memory_space<vmem_shared>>
      %dma_wait3A_205 = arith.constant 9984 : i32
      %dma_wait3A_206 = arith.constant 0 : i32
      %dma_wait3A_207 = tpu.memref_slice %arg14[%dma_wait3A_205, %dma_wait3A_206] : memref<10000x128xf32, #tpu.memory_space<vmem_shared>> -> memref<16x128xf32, #tpu.memory_space<vmem_shared>>
      %dma_wait3A_208 = arith.constant 0 : i32
      %dma_wait3A_209 = arith.constant 0 : i32
      %dma_wait3A_210 = tpu.memref_slice %arg13[%dma_wait3A_208, %dma_wait3A_209] : memref<64x128xf32, #tpu.memory_space<vmem>> -> memref<16x128xf32, #tpu.memory_space<vmem>>
      tpu.wait_dma2 semaphore(%arg19 : memref<!tpu.dma_semaphore, #tpu.memory_space<semaphore_mem>>) src(%dma_wait3A_210 : memref<16x128xf32, #tpu.memory_space<vmem>>) dst(%dma_wait3A_207 : memref<16x128xf32, #tpu.memory_space<vmem_shared>>)
    } else {
    }
    %dma_wait3A = arith.constant 0 : i32
    %dma_wait3A_119 = tpu.memref_slice %arg14[%add3A_52, %dma_wait3A] : memref<10000x128xf32, #tpu.memory_space<vmem_shared>> -> memref<64x128xf32, #tpu.memory_space<vmem_shared>>
    %dma_wait3A_120 = arith.constant 0 : i32
    %dma_wait3A_121 = tpu.memref_slice %arg14[%add3A_52, %dma_wait3A_120] : memref<10000x128xf32, #tpu.memory_space<vmem_shared>> -> memref<64x128xf32, #tpu.memory_space<vmem_shared>>
    tpu.wait_dma2 semaphore(%arg19 : memref<!tpu.dma_semaphore, #tpu.memory_space<semaphore_mem>>) src(%arg13 : memref<64x128xf32, #tpu.memory_space<vmem>>) dst(%dma_wait3A_121 : memref<64x128xf32, #tpu.memory_space<vmem_shared>>)
    %dma_wait3A_122 = arith.constant 0 : i32
    %dma_wait3A_123 = tpu.memref_slice %arg14[%add3A_58, %dma_wait3A_122] : memref<10000x128xf32, #tpu.memory_space<vmem_shared>> -> memref<64x128xf32, #tpu.memory_space<vmem_shared>>
    %dma_wait3A_124 = arith.constant 0 : i32
    %dma_wait3A_125 = tpu.memref_slice %arg14[%add3A_58, %dma_wait3A_124] : memref<10000x128xf32, #tpu.memory_space<vmem_shared>> -> memref<64x128xf32, #tpu.memory_space<vmem_shared>>
    tpu.wait_dma2 semaphore(%arg19 : memref<!tpu.dma_semaphore, #tpu.memory_space<semaphore_mem>>) src(%arg13 : memref<64x128xf32, #tpu.memory_space<vmem>>) dst(%dma_wait3A_125 : memref<64x128xf32, #tpu.memory_space<vmem_shared>>)
    %dma_wait3A_126 = arith.constant 0 : i32
    %dma_wait3A_127 = tpu.memref_slice %arg14[%add3A_64, %dma_wait3A_126] : memref<10000x128xf32, #tpu.memory_space<vmem_shared>> -> memref<64x128xf32, #tpu.memory_space<vmem_shared>>
    %dma_wait3A_128 = arith.constant 0 : i32
    %dma_wait3A_129 = tpu.memref_slice %arg14[%add3A_64, %dma_wait3A_128] : memref<10000x128xf32, #tpu.memory_space<vmem_shared>> -> memref<64x128xf32, #tpu.memory_space<vmem_shared>>
    tpu.wait_dma2 semaphore(%arg19 : memref<!tpu.dma_semaphore, #tpu.memory_space<semaphore_mem>>) src(%arg13 : memref<64x128xf32, #tpu.memory_space<vmem>>) dst(%dma_wait3A_129 : memref<64x128xf32, #tpu.memory_space<vmem_shared>>)
    %dma_wait3A_130 = arith.constant 0 : i32
    %dma_wait3A_131 = tpu.memref_slice %arg14[%add3A_70, %dma_wait3A_130] : memref<10000x128xf32, #tpu.memory_space<vmem_shared>> -> memref<64x128xf32, #tpu.memory_space<vmem_shared>>
    %dma_wait3A_132 = arith.constant 0 : i32
    %dma_wait3A_133 = tpu.memref_slice %arg14[%add3A_70, %dma_wait3A_132] : memref<10000x128xf32, #tpu.memory_space<vmem_shared>> -> memref<64x128xf32, #tpu.memory_space<vmem_shared>>
    tpu.wait_dma2 semaphore(%arg19 : memref<!tpu.dma_semaphore, #tpu.memory_space<semaphore_mem>>) src(%arg13 : memref<64x128xf32, #tpu.memory_space<vmem>>) dst(%dma_wait3A_133 : memref<64x128xf32, #tpu.memory_space<vmem_shared>>)
    %dma_wait3A_134 = arith.constant 0 : i32
    %dma_wait3A_135 = tpu.memref_slice %arg14[%add3A_76, %dma_wait3A_134] : memref<10000x128xf32, #tpu.memory_space<vmem_shared>> -> memref<64x128xf32, #tpu.memory_space<vmem_shared>>
    %dma_wait3A_136 = arith.constant 0 : i32
    %dma_wait3A_137 = tpu.memref_slice %arg14[%add3A_76, %dma_wait3A_136] : memref<10000x128xf32, #tpu.memory_space<vmem_shared>> -> memref<64x128xf32, #tpu.memory_space<vmem_shared>>
    tpu.wait_dma2 semaphore(%arg19 : memref<!tpu.dma_semaphore, #tpu.memory_space<semaphore_mem>>) src(%arg13 : memref<64x128xf32, #tpu.memory_space<vmem>>) dst(%dma_wait3A_137 : memref<64x128xf32, #tpu.memory_space<vmem_shared>>)
    %dma_wait3A_138 = arith.constant 0 : i32
    %dma_wait3A_139 = tpu.memref_slice %arg14[%add3A_82, %dma_wait3A_138] : memref<10000x128xf32, #tpu.memory_space<vmem_shared>> -> memref<64x128xf32, #tpu.memory_space<vmem_shared>>
    %dma_wait3A_140 = arith.constant 0 : i32
    %dma_wait3A_141 = tpu.memref_slice %arg14[%add3A_82, %dma_wait3A_140] : memref<10000x128xf32, #tpu.memory_space<vmem_shared>> -> memref<64x128xf32, #tpu.memory_space<vmem_shared>>
    tpu.wait_dma2 semaphore(%arg19 : memref<!tpu.dma_semaphore, #tpu.memory_space<semaphore_mem>>) src(%arg13 : memref<64x128xf32, #tpu.memory_space<vmem>>) dst(%dma_wait3A_141 : memref<64x128xf32, #tpu.memory_space<vmem_shared>>)
    %dma_wait3A_142 = arith.constant 0 : i32
    %dma_wait3A_143 = tpu.memref_slice %arg14[%add3A_88, %dma_wait3A_142] : memref<10000x128xf32, #tpu.memory_space<vmem_shared>> -> memref<64x128xf32, #tpu.memory_space<vmem_shared>>
    %dma_wait3A_144 = arith.constant 0 : i32
    %dma_wait3A_145 = tpu.memref_slice %arg14[%add3A_88, %dma_wait3A_144] : memref<10000x128xf32, #tpu.memory_space<vmem_shared>> -> memref<64x128xf32, #tpu.memory_space<vmem_shared>>
    tpu.wait_dma2 semaphore(%arg19 : memref<!tpu.dma_semaphore, #tpu.memory_space<semaphore_mem>>) src(%arg13 : memref<64x128xf32, #tpu.memory_space<vmem>>) dst(%dma_wait3A_145 : memref<64x128xf32, #tpu.memory_space<vmem_shared>>)
    %dma_wait3A_146 = arith.constant 0 : i32
    %dma_wait3A_147 = tpu.memref_slice %arg14[%add3A_94, %dma_wait3A_146] : memref<10000x128xf32, #tpu.memory_space<vmem_shared>> -> memref<64x128xf32, #tpu.memory_space<vmem_shared>>
    %dma_wait3A_148 = arith.constant 0 : i32
    %dma_wait3A_149 = tpu.memref_slice %arg14[%add3A_94, %dma_wait3A_148] : memref<10000x128xf32, #tpu.memory_space<vmem_shared>> -> memref<64x128xf32, #tpu.memory_space<vmem_shared>>
    tpu.wait_dma2 semaphore(%arg19 : memref<!tpu.dma_semaphore, #tpu.memory_space<semaphore_mem>>) src(%arg13 : memref<64x128xf32, #tpu.memory_space<vmem>>) dst(%dma_wait3A_149 : memref<64x128xf32, #tpu.memory_space<vmem_shared>>)
    %dma_wait3A_150 = arith.constant 0 : i32
    %dma_wait3A_151 = tpu.memref_slice %arg14[%add3A_100, %dma_wait3A_150] : memref<10000x128xf32, #tpu.memory_space<vmem_shared>> -> memref<64x128xf32, #tpu.memory_space<vmem_shared>>
    %dma_wait3A_152 = arith.constant 0 : i32
    %dma_wait3A_153 = tpu.memref_slice %arg14[%add3A_100, %dma_wait3A_152] : memref<10000x128xf32, #tpu.memory_space<vmem_shared>> -> memref<64x128xf32, #tpu.memory_space<vmem_shared>>
    tpu.wait_dma2 semaphore(%arg19 : memref<!tpu.dma_semaphore, #tpu.memory_space<semaphore_mem>>) src(%arg13 : memref<64x128xf32, #tpu.memory_space<vmem>>) dst(%dma_wait3A_153 : memref<64x128xf32, #tpu.memory_space<vmem_shared>>)
    %dma_wait3A_154 = arith.constant 0 : i32
    %dma_wait3A_155 = arith.constant 0 : i32
    %dma_wait3A_156 = tpu.memref_slice %arg13[%dma_wait3A_154, %dma_wait3A_155] : memref<64x128xf32, #tpu.memory_space<vmem>> -> memref<48x128xf32, #tpu.memory_space<vmem>>
    %dma_wait3A_157 = arith.constant 0 : i32
    %dma_wait3A_158 = tpu.memref_slice %arg14[%add3A_106, %dma_wait3A_157] : memref<10000x128xf32, #tpu.memory_space<vmem_shared>> -> memref<48x128xf32, #tpu.memory_space<vmem_shared>>
    %dma_wait3A_159 = arith.constant 0 : i32
    %dma_wait3A_160 = tpu.memref_slice %arg14[%add3A_106, %dma_wait3A_159] : memref<10000x128xf32, #tpu.memory_space<vmem_shared>> -> memref<48x128xf32, #tpu.memory_space<vmem_shared>>
    %dma_wait3A_161 = arith.constant 0 : i32
    %dma_wait3A_162 = arith.constant 0 : i32
    %dma_wait3A_163 = tpu.memref_slice %arg13[%dma_wait3A_161, %dma_wait3A_162] : memref<64x128xf32, #tpu.memory_space<vmem>> -> memref<48x128xf32, #tpu.memory_space<vmem>>
    tpu.wait_dma2 semaphore(%arg19 : memref<!tpu.dma_semaphore, #tpu.memory_space<semaphore_mem>>) src(%dma_wait3A_163 : memref<48x128xf32, #tpu.memory_space<vmem>>) dst(%dma_wait3A_160 : memref<48x128xf32, #tpu.memory_space<vmem_shared>>)
    %barrier3A = arith.constant 0 : index
    tpu.barrier barrier_id(%barrier3A)
    %scan3A_164 = arith.constant 0 : i32
    %scan3A_165 = arith.constant 31 : i32
    %scan3A_166 = arith.addi %scan3A_164, %scan3A_165 : i32
    %scan3A_167 = arith.constant 1 : i32
    scf.for %scan3A_187 = %scan3A_164 to %scan3A_166 step %scan3A_167  : i32 {
      %mul3A_188 = arith.constant 4 : i32
      %mul3A_189 = arith.muli %scan3A_187, %mul3A_188 : i32
      %add3A_190 = arith.constant 0 : i32
      %add3A_191 = arith.addi %add3A_190, %mul3A_189 : i32
      %add3A_192 = arith.constant 0 : i32
      %add3A_193 = arith.addi %add3A_191, %add3A_192 : i32
      %mul3A_194 = arith.constant 80 : i32
      %mul3A_195 = arith.muli %add3A_193, %mul3A_194 : i32
      %add3A_196 = arith.addi %mul3A_2, %mul3A_195 : i32
      %dma_wait3A_197 = tpu.memref_slice %arg3[%add3A_196] : memref<320000xi32, #tpu.memory_space<hbm>> -> memref<80xi32, #tpu.memory_space<hbm>>
      %dma_wait3A_198 = tpu.memref_slice %arg3[%add3A_196] : memref<320000xi32, #tpu.memory_space<hbm>> -> memref<80xi32, #tpu.memory_space<hbm>>
      tpu.wait_dma2 semaphore(%arg15 : memref<!tpu.dma_semaphore, #tpu.memory_space<semaphore_mem>>) src(%dma_wait3A_198 : memref<80xi32, #tpu.memory_space<hbm>>) dst(%arg5 : memref<80xi32, #tpu.memory_space<vmem>>)
      %mul3A_199 = arith.constant 80 : i32
      %mul3A_200 = arith.muli %add3A_193, %mul3A_199 : i32
      %add3A_201 = arith.addi %mul3A_2, %mul3A_200 : i32
      %dma_wait3A_202 = arith.constant 0 : i32
      %dma_wait3A_203 = tpu.memref_slice %arg2[%add3A_201, %dma_wait3A_202] : memref<320000x128xf32, #tpu.memory_space<hbm>> -> memref<80x128xf32, #tpu.memory_space<hbm>>
      %dma_wait3A_204 = arith.constant 0 : i32
      %dma_wait3A_205 = tpu.memref_slice %arg2[%add3A_201, %dma_wait3A_204] : memref<320000x128xf32, #tpu.memory_space<hbm>> -> memref<80x128xf32, #tpu.memory_space<hbm>>
      tpu.wait_dma2 semaphore(%arg15 : memref<!tpu.dma_semaphore, #tpu.memory_space<semaphore_mem>>) src(%dma_wait3A_205 : memref<80x128xf32, #tpu.memory_space<hbm>>) dst(%arg9 : memref<80x128xf32, #tpu.memory_space<vmem>>)
      "tpu.region"() ({
        %run_scoped3A = tpu.sem_alloc : memref<!tpu.dma_semaphore, #tpu.memory_space<semaphore_mem>>
        %dma_start3A_275 = arith.constant 0 : i32
        %dma_start3A_276 = arith.constant 0 : i32
        %dma_start3A_277 = tpu.memref_slice %arg14[%dma_start3A_275, %dma_start3A_276] : memref<10000x128xf32, #tpu.memory_space<vmem_shared>> -> memref<10000x128xf32, #tpu.memory_space<vmem_shared>>
        tpu.enqueue_indirect_dma source(%arg9 : memref<80x128xf32, #tpu.memory_space<vmem>>) target(%dma_start3A_277 : memref<10000x128xf32, #tpu.memory_space<vmem_shared>>) offsets(%arg5 : memref<80xi32, #tpu.memory_space<vmem>>) semaphore(%run_scoped3A : memref<!tpu.dma_semaphore, #tpu.memory_space<semaphore_mem>>) {add = true}
        %dma_wait3A_278 = arith.constant 0 : i32
        %dma_wait3A_279 = arith.constant 0 : i32
        %dma_wait3A_280 = tpu.memref_slice %arg14[%dma_wait3A_278, %dma_wait3A_279] : memref<10000x128xf32, #tpu.memory_space<vmem_shared>> -> memref<10000x128xf32, #tpu.memory_space<vmem_shared>>
        tpu.wait_indirect_dma semaphore(%run_scoped3A : memref<!tpu.dma_semaphore, #tpu.memory_space<semaphore_mem>>) src(%arg9 : memref<80x128xf32, #tpu.memory_space<vmem>>) dst(%dma_wait3A_280 : memref<10000x128xf32, #tpu.memory_space<vmem_shared>>)
        tpu.yield
      }) : () -> ()
      %add3A_206 = arith.constant 4 : i32
      %add3A_207 = arith.addi %add3A_193, %add3A_206 : i32
      %lt3A = arith.constant 125 : i32
      %lt3A_208 = arith.cmpi slt, %add3A_207, %lt3A : i32
      %convert_element_type3A_209 = arith.extui %lt3A_208 : i1 to i32
      %cond3A_210 = arith.constant 0 : i32
      %cond3A_211 = arith.cmpi ne, %convert_element_type3A_209, %cond3A_210 : i32
      scf.if %cond3A_211 {
        %add3A_275 = arith.constant 4 : i32
        %add3A_276 = arith.addi %add3A_193, %add3A_275 : i32
        %mul3A_277 = arith.constant 80 : i32
        %mul3A_278 = arith.muli %add3A_276, %mul3A_277 : i32
        %add3A_279 = arith.addi %mul3A_2, %mul3A_278 : i32
        %dma_start3A_280 = tpu.memref_slice %arg3[%add3A_279] : memref<320000xi32, #tpu.memory_space<hbm>> -> memref<80xi32, #tpu.memory_space<hbm>>
        %dma_start3A_281 = tpu.memref_slice %arg3[%add3A_279] : memref<320000xi32, #tpu.memory_space<hbm>> -> memref<80xi32, #tpu.memory_space<hbm>>
        tpu.enqueue_dma source(%dma_start3A_281 : memref<80xi32, #tpu.memory_space<hbm>>) target(%arg5 : memref<80xi32, #tpu.memory_space<vmem>>) target_semaphore(%arg15 : memref<!tpu.dma_semaphore, #tpu.memory_space<semaphore_mem>>)
        %mul3A_282 = arith.constant 80 : i32
        %mul3A_283 = arith.muli %add3A_276, %mul3A_282 : i32
        %add3A_284 = arith.addi %mul3A_2, %mul3A_283 : i32
        %dma_start3A_285 = arith.constant 0 : i32
        %dma_start3A_286 = tpu.memref_slice %arg2[%add3A_284, %dma_start3A_285] : memref<320000x128xf32, #tpu.memory_space<hbm>> -> memref<80x128xf32, #tpu.memory_space<hbm>>
        %dma_start3A_287 = arith.constant 0 : i32
        %dma_start3A_288 = tpu.memref_slice %arg2[%add3A_284, %dma_start3A_287] : memref<320000x128xf32, #tpu.memory_space<hbm>> -> memref<80x128xf32, #tpu.memory_space<hbm>>
        tpu.enqueue_dma source(%dma_start3A_288 : memref<80x128xf32, #tpu.memory_space<hbm>>) target(%arg9 : memref<80x128xf32, #tpu.memory_space<vmem>>) target_semaphore(%arg15 : memref<!tpu.dma_semaphore, #tpu.memory_space<semaphore_mem>>)
      } else {
      }
      %add3A_212 = arith.constant 1 : i32
      %add3A_213 = arith.addi %add3A_191, %add3A_212 : i32
      %mul3A_214 = arith.constant 80 : i32
      %mul3A_215 = arith.muli %add3A_213, %mul3A_214 : i32
      %add3A_216 = arith.addi %mul3A_2, %mul3A_215 : i32
      %dma_wait3A_217 = tpu.memref_slice %arg3[%add3A_216] : memref<320000xi32, #tpu.memory_space<hbm>> -> memref<80xi32, #tpu.memory_space<hbm>>
      %dma_wait3A_218 = tpu.memref_slice %arg3[%add3A_216] : memref<320000xi32, #tpu.memory_space<hbm>> -> memref<80xi32, #tpu.memory_space<hbm>>
      tpu.wait_dma2 semaphore(%arg16 : memref<!tpu.dma_semaphore, #tpu.memory_space<semaphore_mem>>) src(%dma_wait3A_218 : memref<80xi32, #tpu.memory_space<hbm>>) dst(%arg6 : memref<80xi32, #tpu.memory_space<vmem>>)
      %mul3A_219 = arith.constant 80 : i32
      %mul3A_220 = arith.muli %add3A_213, %mul3A_219 : i32
      %add3A_221 = arith.addi %mul3A_2, %mul3A_220 : i32
      %dma_wait3A_222 = arith.constant 0 : i32
      %dma_wait3A_223 = tpu.memref_slice %arg2[%add3A_221, %dma_wait3A_222] : memref<320000x128xf32, #tpu.memory_space<hbm>> -> memref<80x128xf32, #tpu.memory_space<hbm>>
      %dma_wait3A_224 = arith.constant 0 : i32
      %dma_wait3A_225 = tpu.memref_slice %arg2[%add3A_221, %dma_wait3A_224] : memref<320000x128xf32, #tpu.memory_space<hbm>> -> memref<80x128xf32, #tpu.memory_space<hbm>>
      tpu.wait_dma2 semaphore(%arg16 : memref<!tpu.dma_semaphore, #tpu.memory_space<semaphore_mem>>) src(%dma_wait3A_225 : memref<80x128xf32, #tpu.memory_space<hbm>>) dst(%arg10 : memref<80x128xf32, #tpu.memory_space<vmem>>)
      "tpu.region"() ({
        %run_scoped3A = tpu.sem_alloc : memref<!tpu.dma_semaphore, #tpu.memory_space<semaphore_mem>>
        %dma_start3A_275 = arith.constant 0 : i32
        %dma_start3A_276 = arith.constant 0 : i32
        %dma_start3A_277 = tpu.memref_slice %arg14[%dma_start3A_275, %dma_start3A_276] : memref<10000x128xf32, #tpu.memory_space<vmem_shared>> -> memref<10000x128xf32, #tpu.memory_space<vmem_shared>>
        tpu.enqueue_indirect_dma source(%arg10 : memref<80x128xf32, #tpu.memory_space<vmem>>) target(%dma_start3A_277 : memref<10000x128xf32, #tpu.memory_space<vmem_shared>>) offsets(%arg6 : memref<80xi32, #tpu.memory_space<vmem>>) semaphore(%run_scoped3A : memref<!tpu.dma_semaphore, #tpu.memory_space<semaphore_mem>>) {add = true}
        %dma_wait3A_278 = arith.constant 0 : i32
        %dma_wait3A_279 = arith.constant 0 : i32
        %dma_wait3A_280 = tpu.memref_slice %arg14[%dma_wait3A_278, %dma_wait3A_279] : memref<10000x128xf32, #tpu.memory_space<vmem_shared>> -> memref<10000x128xf32, #tpu.memory_space<vmem_shared>>
        tpu.wait_indirect_dma semaphore(%run_scoped3A : memref<!tpu.dma_semaphore, #tpu.memory_space<semaphore_mem>>) src(%arg10 : memref<80x128xf32, #tpu.memory_space<vmem>>) dst(%dma_wait3A_280 : memref<10000x128xf32, #tpu.memory_space<vmem_shared>>)
        tpu.yield
      }) : () -> ()
      %add3A_226 = arith.constant 4 : i32
      %add3A_227 = arith.addi %add3A_213, %add3A_226 : i32
      %lt3A_228 = arith.constant 125 : i32
      %lt3A_229 = arith.cmpi slt, %add3A_227, %lt3A_228 : i32
      %convert_element_type3A_230 = arith.extui %lt3A_229 : i1 to i32
      %cond3A_231 = arith.constant 0 : i32
      %cond3A_232 = arith.cmpi ne, %convert_element_type3A_230, %cond3A_231 : i32
      scf.if %cond3A_232 {
        %add3A_275 = arith.constant 4 : i32
        %add3A_276 = arith.addi %add3A_213, %add3A_275 : i32
        %mul3A_277 = arith.constant 80 : i32
        %mul3A_278 = arith.muli %add3A_276, %mul3A_277 : i32
        %add3A_279 = arith.addi %mul3A_2, %mul3A_278 : i32
        %dma_start3A_280 = tpu.memref_slice %arg3[%add3A_279] : memref<320000xi32, #tpu.memory_space<hbm>> -> memref<80xi32, #tpu.memory_space<hbm>>
        %dma_start3A_281 = tpu.memref_slice %arg3[%add3A_279] : memref<320000xi32, #tpu.memory_space<hbm>> -> memref<80xi32, #tpu.memory_space<hbm>>
        tpu.enqueue_dma source(%dma_start3A_281 : memref<80xi32, #tpu.memory_space<hbm>>) target(%arg6 : memref<80xi32, #tpu.memory_space<vmem>>) target_semaphore(%arg16 : memref<!tpu.dma_semaphore, #tpu.memory_space<semaphore_mem>>)
        %mul3A_282 = arith.constant 80 : i32
        %mul3A_283 = arith.muli %add3A_276, %mul3A_282 : i32
        %add3A_284 = arith.addi %mul3A_2, %mul3A_283 : i32
        %dma_start3A_285 = arith.constant 0 : i32
        %dma_start3A_286 = tpu.memref_slice %arg2[%add3A_284, %dma_start3A_285] : memref<320000x128xf32, #tpu.memory_space<hbm>> -> memref<80x128xf32, #tpu.memory_space<hbm>>
        %dma_start3A_287 = arith.constant 0 : i32
        %dma_start3A_288 = tpu.memref_slice %arg2[%add3A_284, %dma_start3A_287] : memref<320000x128xf32, #tpu.memory_space<hbm>> -> memref<80x128xf32, #tpu.memory_space<hbm>>
        tpu.enqueue_dma source(%dma_start3A_288 : memref<80x128xf32, #tpu.memory_space<hbm>>) target(%arg10 : memref<80x128xf32, #tpu.memory_space<vmem>>) target_semaphore(%arg16 : memref<!tpu.dma_semaphore, #tpu.memory_space<semaphore_mem>>)
      } else {
      }
      %add3A_233 = arith.constant 2 : i32
      %add3A_234 = arith.addi %add3A_191, %add3A_233 : i32
      %mul3A_235 = arith.constant 80 : i32
      %mul3A_236 = arith.muli %add3A_234, %mul3A_235 : i32
      %add3A_237 = arith.addi %mul3A_2, %mul3A_236 : i32
      %dma_wait3A_238 = tpu.memref_slice %arg3[%add3A_237] : memref<320000xi32, #tpu.memory_space<hbm>> -> memref<80xi32, #tpu.memory_space<hbm>>
      %dma_wait3A_239 = tpu.memref_slice %arg3[%add3A_237] : memref<320000xi32, #tpu.memory_space<hbm>> -> memref<80xi32, #tpu.memory_space<hbm>>
      tpu.wait_dma2 semaphore(%arg17 : memref<!tpu.dma_semaphore, #tpu.memory_space<semaphore_mem>>) src(%dma_wait3A_239 : memref<80xi32, #tpu.memory_space<hbm>>) dst(%arg7 : memref<80xi32, #tpu.memory_space<vmem>>)
      %mul3A_240 = arith.constant 80 : i32
      %mul3A_241 = arith.muli %add3A_234, %mul3A_240 : i32
      %add3A_242 = arith.addi %mul3A_2, %mul3A_241 : i32
      %dma_wait3A_243 = arith.constant 0 : i32
      %dma_wait3A_244 = tpu.memref_slice %arg2[%add3A_242, %dma_wait3A_243] : memref<320000x128xf32, #tpu.memory_space<hbm>> -> memref<80x128xf32, #tpu.memory_space<hbm>>
      %dma_wait3A_245 = arith.constant 0 : i32
      %dma_wait3A_246 = tpu.memref_slice %arg2[%add3A_242, %dma_wait3A_245] : memref<320000x128xf32, #tpu.memory_space<hbm>> -> memref<80x128xf32, #tpu.memory_space<hbm>>
      tpu.wait_dma2 semaphore(%arg17 : memref<!tpu.dma_semaphore, #tpu.memory_space<semaphore_mem>>) src(%dma_wait3A_246 : memref<80x128xf32, #tpu.memory_space<hbm>>) dst(%arg11 : memref<80x128xf32, #tpu.memory_space<vmem>>)
      "tpu.region"() ({
        %run_scoped3A = tpu.sem_alloc : memref<!tpu.dma_semaphore, #tpu.memory_space<semaphore_mem>>
        %dma_start3A_275 = arith.constant 0 : i32
        %dma_start3A_276 = arith.constant 0 : i32
        %dma_start3A_277 = tpu.memref_slice %arg14[%dma_start3A_275, %dma_start3A_276] : memref<10000x128xf32, #tpu.memory_space<vmem_shared>> -> memref<10000x128xf32, #tpu.memory_space<vmem_shared>>
        tpu.enqueue_indirect_dma source(%arg11 : memref<80x128xf32, #tpu.memory_space<vmem>>) target(%dma_start3A_277 : memref<10000x128xf32, #tpu.memory_space<vmem_shared>>) offsets(%arg7 : memref<80xi32, #tpu.memory_space<vmem>>) semaphore(%run_scoped3A : memref<!tpu.dma_semaphore, #tpu.memory_space<semaphore_mem>>) {add = true}
        %dma_wait3A_278 = arith.constant 0 : i32
        %dma_wait3A_279 = arith.constant 0 : i32
        %dma_wait3A_280 = tpu.memref_slice %arg14[%dma_wait3A_278, %dma_wait3A_279] : memref<10000x128xf32, #tpu.memory_space<vmem_shared>> -> memref<10000x128xf32, #tpu.memory_space<vmem_shared>>
        tpu.wait_indirect_dma semaphore(%run_scoped3A : memref<!tpu.dma_semaphore, #tpu.memory_space<semaphore_mem>>) src(%arg11 : memref<80x128xf32, #tpu.memory_space<vmem>>) dst(%dma_wait3A_280 : memref<10000x128xf32, #tpu.memory_space<vmem_shared>>)
        tpu.yield
      }) : () -> ()
      %add3A_247 = arith.constant 4 : i32
      %add3A_248 = arith.addi %add3A_234, %add3A_247 : i32
      %lt3A_249 = arith.constant 125 : i32
      %lt3A_250 = arith.cmpi slt, %add3A_248, %lt3A_249 : i32
      %convert_element_type3A_251 = arith.extui %lt3A_250 : i1 to i32
      %cond3A_252 = arith.constant 0 : i32
      %cond3A_253 = arith.cmpi ne, %convert_element_type3A_251, %cond3A_252 : i32
      scf.if %cond3A_253 {
        %add3A_275 = arith.constant 4 : i32
        %add3A_276 = arith.addi %add3A_234, %add3A_275 : i32
        %mul3A_277 = arith.constant 80 : i32
        %mul3A_278 = arith.muli %add3A_276, %mul3A_277 : i32
        %add3A_279 = arith.addi %mul3A_2, %mul3A_278 : i32
        %dma_start3A_280 = tpu.memref_slice %arg3[%add3A_279] : memref<320000xi32, #tpu.memory_space<hbm>> -> memref<80xi32, #tpu.memory_space<hbm>>
        %dma_start3A_281 = tpu.memref_slice %arg3[%add3A_279] : memref<320000xi32, #tpu.memory_space<hbm>> -> memref<80xi32, #tpu.memory_space<hbm>>
        tpu.enqueue_dma source(%dma_start3A_281 : memref<80xi32, #tpu.memory_space<hbm>>) target(%arg7 : memref<80xi32, #tpu.memory_space<vmem>>) target_semaphore(%arg17 : memref<!tpu.dma_semaphore, #tpu.memory_space<semaphore_mem>>)
        %mul3A_282 = arith.constant 80 : i32
        %mul3A_283 = arith.muli %add3A_276, %mul3A_282 : i32
        %add3A_284 = arith.addi %mul3A_2, %mul3A_283 : i32
        %dma_start3A_285 = arith.constant 0 : i32
        %dma_start3A_286 = tpu.memref_slice %arg2[%add3A_284, %dma_start3A_285] : memref<320000x128xf32, #tpu.memory_space<hbm>> -> memref<80x128xf32, #tpu.memory_space<hbm>>
        %dma_start3A_287 = arith.constant 0 : i32
        %dma_start3A_288 = tpu.memref_slice %arg2[%add3A_284, %dma_start3A_287] : memref<320000x128xf32, #tpu.memory_space<hbm>> -> memref<80x128xf32, #tpu.memory_space<hbm>>
        tpu.enqueue_dma source(%dma_start3A_288 : memref<80x128xf32, #tpu.memory_space<hbm>>) target(%arg11 : memref<80x128xf32, #tpu.memory_space<vmem>>) target_semaphore(%arg17 : memref<!tpu.dma_semaphore, #tpu.memory_space<semaphore_mem>>)
      } else {
      }
      %add3A_254 = arith.constant 3 : i32
      %add3A_255 = arith.addi %add3A_191, %add3A_254 : i32
      %mul3A_256 = arith.constant 80 : i32
      %mul3A_257 = arith.muli %add3A_255, %mul3A_256 : i32
      %add3A_258 = arith.addi %mul3A_2, %mul3A_257 : i32
      %dma_wait3A_259 = tpu.memref_slice %arg3[%add3A_258] : memref<320000xi32, #tpu.memory_space<hbm>> -> memref<80xi32, #tpu.memory_space<hbm>>
      %dma_wait3A_260 = tpu.memref_slice %arg3[%add3A_258] : memref<320000xi32, #tpu.memory_space<hbm>> -> memref<80xi32, #tpu.memory_space<hbm>>
      tpu.wait_dma2 semaphore(%arg18 : memref<!tpu.dma_semaphore, #tpu.memory_space<semaphore_mem>>) src(%dma_wait3A_260 : memref<80xi32, #tpu.memory_space<hbm>>) dst(%arg8 : memref<80xi32, #tpu.memory_space<vmem>>)
      %mul3A_261 = arith.constant 80 : i32
      %mul3A_262 = arith.muli %add3A_255, %mul3A_261 : i32
      %add3A_263 = arith.addi %mul3A_2, %mul3A_262 : i32
      %dma_wait3A_264 = arith.constant 0 : i32
      %dma_wait3A_265 = tpu.memref_slice %arg2[%add3A_263, %dma_wait3A_264] : memref<320000x128xf32, #tpu.memory_space<hbm>> -> memref<80x128xf32, #tpu.memory_space<hbm>>
      %dma_wait3A_266 = arith.constant 0 : i32
      %dma_wait3A_267 = tpu.memref_slice %arg2[%add3A_263, %dma_wait3A_266] : memref<320000x128xf32, #tpu.memory_space<hbm>> -> memref<80x128xf32, #tpu.memory_space<hbm>>
      tpu.wait_dma2 semaphore(%arg18 : memref<!tpu.dma_semaphore, #tpu.memory_space<semaphore_mem>>) src(%dma_wait3A_267 : memref<80x128xf32, #tpu.memory_space<hbm>>) dst(%arg12 : memref<80x128xf32, #tpu.memory_space<vmem>>)
      "tpu.region"() ({
        %run_scoped3A = tpu.sem_alloc : memref<!tpu.dma_semaphore, #tpu.memory_space<semaphore_mem>>
        %dma_start3A_275 = arith.constant 0 : i32
        %dma_start3A_276 = arith.constant 0 : i32
        %dma_start3A_277 = tpu.memref_slice %arg14[%dma_start3A_275, %dma_start3A_276] : memref<10000x128xf32, #tpu.memory_space<vmem_shared>> -> memref<10000x128xf32, #tpu.memory_space<vmem_shared>>
        tpu.enqueue_indirect_dma source(%arg12 : memref<80x128xf32, #tpu.memory_space<vmem>>) target(%dma_start3A_277 : memref<10000x128xf32, #tpu.memory_space<vmem_shared>>) offsets(%arg8 : memref<80xi32, #tpu.memory_space<vmem>>) semaphore(%run_scoped3A : memref<!tpu.dma_semaphore, #tpu.memory_space<semaphore_mem>>) {add = true}
        %dma_wait3A_278 = arith.constant 0 : i32
        %dma_wait3A_279 = arith.constant 0 : i32
        %dma_wait3A_280 = tpu.memref_slice %arg14[%dma_wait3A_278, %dma_wait3A_279] : memref<10000x128xf32, #tpu.memory_space<vmem_shared>> -> memref<10000x128xf32, #tpu.memory_space<vmem_shared>>
        tpu.wait_indirect_dma semaphore(%run_scoped3A : memref<!tpu.dma_semaphore, #tpu.memory_space<semaphore_mem>>) src(%arg12 : memref<80x128xf32, #tpu.memory_space<vmem>>) dst(%dma_wait3A_280 : memref<10000x128xf32, #tpu.memory_space<vmem_shared>>)
        tpu.yield
      }) : () -> ()
      %add3A_268 = arith.constant 4 : i32
      %add3A_269 = arith.addi %add3A_255, %add3A_268 : i32
      %lt3A_270 = arith.constant 125 : i32
      %lt3A_271 = arith.cmpi slt, %add3A_269, %lt3A_270 : i32
      %convert_element_type3A_272 = arith.extui %lt3A_271 : i1 to i32
      %cond3A_273 = arith.constant 0 : i32
      %cond3A_274 = arith.cmpi ne, %convert_element_type3A_272, %cond3A_273 : i32
      scf.if %cond3A_274 {
        %add3A_275 = arith.constant 4 : i32
        %add3A_276 = arith.addi %add3A_255, %add3A_275 : i32
        %mul3A_277 = arith.constant 80 : i32
        %mul3A_278 = arith.muli %add3A_276, %mul3A_277 : i32
        %add3A_279 = arith.addi %mul3A_2, %mul3A_278 : i32
        %dma_start3A_280 = tpu.memref_slice %arg3[%add3A_279] : memref<320000xi32, #tpu.memory_space<hbm>> -> memref<80xi32, #tpu.memory_space<hbm>>
        %dma_start3A_281 = tpu.memref_slice %arg3[%add3A_279] : memref<320000xi32, #tpu.memory_space<hbm>> -> memref<80xi32, #tpu.memory_space<hbm>>
        tpu.enqueue_dma source(%dma_start3A_281 : memref<80xi32, #tpu.memory_space<hbm>>) target(%arg8 : memref<80xi32, #tpu.memory_space<vmem>>) target_semaphore(%arg18 : memref<!tpu.dma_semaphore, #tpu.memory_space<semaphore_mem>>)
        %mul3A_282 = arith.constant 80 : i32
        %mul3A_283 = arith.muli %add3A_276, %mul3A_282 : i32
        %add3A_284 = arith.addi %mul3A_2, %mul3A_283 : i32
        %dma_start3A_285 = arith.constant 0 : i32
        %dma_start3A_286 = tpu.memref_slice %arg2[%add3A_284, %dma_start3A_285] : memref<320000x128xf32, #tpu.memory_space<hbm>> -> memref<80x128xf32, #tpu.memory_space<hbm>>
        %dma_start3A_287 = arith.constant 0 : i32
        %dma_start3A_288 = tpu.memref_slice %arg2[%add3A_284, %dma_start3A_287] : memref<320000x128xf32, #tpu.memory_space<hbm>> -> memref<80x128xf32, #tpu.memory_space<hbm>>
        tpu.enqueue_dma source(%dma_start3A_288 : memref<80x128xf32, #tpu.memory_space<hbm>>) target(%arg12 : memref<80x128xf32, #tpu.memory_space<vmem>>) target_semaphore(%arg18 : memref<!tpu.dma_semaphore, #tpu.memory_space<semaphore_mem>>)
      } else {
      }
    }
    %scan3A_168 = arith.constant 31 : i32
    %add3A_169 = arith.constant 9920 : i32
    %add3A_170 = arith.addi %mul3A_2, %add3A_169 : i32
    %dma_wait3A_171 = tpu.memref_slice %arg3[%add3A_170] : memref<320000xi32, #tpu.memory_space<hbm>> -> memref<80xi32, #tpu.memory_space<hbm>>
    %dma_wait3A_172 = tpu.memref_slice %arg3[%add3A_170] : memref<320000xi32, #tpu.memory_space<hbm>> -> memref<80xi32, #tpu.memory_space<hbm>>
    tpu.wait_dma2 semaphore(%arg15 : memref<!tpu.dma_semaphore, #tpu.memory_space<semaphore_mem>>) src(%dma_wait3A_172 : memref<80xi32, #tpu.memory_space<hbm>>) dst(%arg5 : memref<80xi32, #tpu.memory_space<vmem>>)
    %add3A_173 = arith.constant 9920 : i32
    %add3A_174 = arith.addi %mul3A_2, %add3A_173 : i32
    %dma_wait3A_175 = arith.constant 0 : i32
    %dma_wait3A_176 = tpu.memref_slice %arg2[%add3A_174, %dma_wait3A_175] : memref<320000x128xf32, #tpu.memory_space<hbm>> -> memref<80x128xf32, #tpu.memory_space<hbm>>
    %dma_wait3A_177 = arith.constant 0 : i32
    %dma_wait3A_178 = tpu.memref_slice %arg2[%add3A_174, %dma_wait3A_177] : memref<320000x128xf32, #tpu.memory_space<hbm>> -> memref<80x128xf32, #tpu.memory_space<hbm>>
    tpu.wait_dma2 semaphore(%arg15 : memref<!tpu.dma_semaphore, #tpu.memory_space<semaphore_mem>>) src(%dma_wait3A_178 : memref<80x128xf32, #tpu.memory_space<hbm>>) dst(%arg9 : memref<80x128xf32, #tpu.memory_space<vmem>>)
    "tpu.region"() ({
      %run_scoped3A = tpu.sem_alloc : memref<!tpu.dma_semaphore, #tpu.memory_space<semaphore_mem>>
      %dma_start3A_187 = arith.constant 0 : i32
      %dma_start3A_188 = arith.constant 0 : i32
      %dma_start3A_189 = tpu.memref_slice %arg14[%dma_start3A_187, %dma_start3A_188] : memref<10000x128xf32, #tpu.memory_space<vmem_shared>> -> memref<10000x128xf32, #tpu.memory_space<vmem_shared>>
      tpu.enqueue_indirect_dma source(%arg9 : memref<80x128xf32, #tpu.memory_space<vmem>>) target(%dma_start3A_189 : memref<10000x128xf32, #tpu.memory_space<vmem_shared>>) offsets(%arg5 : memref<80xi32, #tpu.memory_space<vmem>>) semaphore(%run_scoped3A : memref<!tpu.dma_semaphore, #tpu.memory_space<semaphore_mem>>) {add = true}
      %dma_wait3A_190 = arith.constant 0 : i32
      %dma_wait3A_191 = arith.constant 0 : i32
      %dma_wait3A_192 = tpu.memref_slice %arg14[%dma_wait3A_190, %dma_wait3A_191] : memref<10000x128xf32, #tpu.memory_space<vmem_shared>> -> memref<10000x128xf32, #tpu.memory_space<vmem_shared>>
      tpu.wait_indirect_dma semaphore(%run_scoped3A : memref<!tpu.dma_semaphore, #tpu.memory_space<semaphore_mem>>) src(%arg9 : memref<80x128xf32, #tpu.memory_space<vmem>>) dst(%dma_wait3A_192 : memref<10000x128xf32, #tpu.memory_space<vmem_shared>>)
      tpu.yield
    }) : () -> ()
    %barrier3A_179 = arith.constant 0 : index
    tpu.barrier barrier_id(%barrier3A_179)
    %mul3A_180 = arith.constant 624 : i32
    %mul3A_181 = arith.muli %arg1, %mul3A_180 : i32
    "tpu.region"() ({
      %run_scoped3A = tpu.sem_alloc : memref<!tpu.dma_semaphore, #tpu.memory_space<semaphore_mem>>
      %dma_start3A_187 = arith.constant 0 : i32
      %dma_start3A_188 = tpu.memref_slice %arg4[%arg0, %mul3A_181, %dma_start3A_187] : memref<2x10000x128xf32, #tpu.memory_space<hbm>> -> memref<1x624x128xf32, #tpu.memory_space<hbm>>
      %dma_start3A_189 = tpu.memref_squeeze %dma_start3A_188 : memref<1x624x128xf32, #tpu.memory_space<hbm>> -> memref<624x128xf32, #tpu.memory_space<hbm>>
      %dma_start3A_190 = arith.constant 0 : i32
      %dma_start3A_191 = tpu.memref_slice %arg14[%mul3A_181, %dma_start3A_190] : memref<10000x128xf32, #tpu.memory_space<vmem_shared>> -> memref<624x128xf32, #tpu.memory_space<vmem_shared>>
      tpu.enqueue_dma source(%dma_start3A_191 : memref<624x128xf32, #tpu.memory_space<vmem_shared>>) target(%dma_start3A_189 : memref<624x128xf32, #tpu.memory_space<hbm>>) target_semaphore(%run_scoped3A : memref<!tpu.dma_semaphore, #tpu.memory_space<semaphore_mem>>)
      %dma_wait3A_192 = arith.constant 0 : i32
      %dma_wait3A_193 = tpu.memref_slice %arg4[%arg0, %mul3A_181, %dma_wait3A_192] : memref<2x10000x128xf32, #tpu.memory_space<hbm>> -> memref<1x624x128xf32, #tpu.memory_space<hbm>>
      %dma_wait3A_194 = tpu.memref_squeeze %dma_wait3A_193 : memref<1x624x128xf32, #tpu.memory_space<hbm>> -> memref<624x128xf32, #tpu.memory_space<hbm>>
      %dma_wait3A_195 = arith.constant 0 : i32
      %dma_wait3A_196 = tpu.memref_slice %arg14[%mul3A_181, %dma_wait3A_195] : memref<10000x128xf32, #tpu.memory_space<vmem_shared>> -> memref<624x128xf32, #tpu.memory_space<vmem_shared>>
      tpu.wait_dma2 semaphore(%run_scoped3A : memref<!tpu.dma_semaphore, #tpu.memory_space<semaphore_mem>>) src(%dma_wait3A_196 : memref<624x128xf32, #tpu.memory_space<vmem_shared>>) dst(%dma_wait3A_194 : memref<624x128xf32, #tpu.memory_space<hbm>>)
      tpu.yield
    }) : () -> ()
    %eq3A_182 = arith.constant 0 : i32
    %eq3A_183 = arith.cmpi eq, %arg1, %eq3A_182 : i32
    %convert_element_type3A_184 = arith.extui %eq3A_183 : i1 to i32
    %cond3A_185 = arith.constant 0 : i32
    %cond3A_186 = arith.cmpi ne, %convert_element_type3A_184, %cond3A_185 : i32
    scf.if %cond3A_186 {
      "tpu.region"() ({
        %run_scoped3A = tpu.sem_alloc : memref<!tpu.dma_semaphore, #tpu.memory_space<semaphore_mem>>
        %dma_start3A_187 = arith.constant 9984 : i32
        %dma_start3A_188 = arith.constant 0 : i32
        %dma_start3A_189 = tpu.memref_slice %arg4[%arg0, %dma_start3A_187, %dma_start3A_188] : memref<2x10000x128xf32, #tpu.memory_space<hbm>> -> memref<1x16x128xf32, #tpu.memory_space<hbm>>
        %dma_start3A_190 = tpu.memref_squeeze %dma_start3A_189 : memref<1x16x128xf32, #tpu.memory_space<hbm>> -> memref<16x128xf32, #tpu.memory_space<hbm>>
        %dma_start3A_191 = arith.constant 9984 : i32
        %dma_start3A_192 = arith.constant 0 : i32
        %dma_start3A_193 = tpu.memref_slice %arg14[%dma_start3A_191, %dma_start3A_192] : memref<10000x128xf32, #tpu.memory_space<vmem_shared>> -> memref<16x128xf32, #tpu.memory_space<vmem_shared>>
        tpu.enqueue_dma source(%dma_start3A_193 : memref<16x128xf32, #tpu.memory_space<vmem_shared>>) target(%dma_start3A_190 : memref<16x128xf32, #tpu.memory_space<hbm>>) target_semaphore(%run_scoped3A : memref<!tpu.dma_semaphore, #tpu.memory_space<semaphore_mem>>)
        %dma_wait3A_194 = arith.constant 9984 : i32
        %dma_wait3A_195 = arith.constant 0 : i32
        %dma_wait3A_196 = tpu.memref_slice %arg4[%arg0, %dma_wait3A_194, %dma_wait3A_195] : memref<2x10000x128xf32, #tpu.memory_space<hbm>> -> memref<1x16x128xf32, #tpu.memory_space<hbm>>
        %dma_wait3A_197 = tpu.memref_squeeze %dma_wait3A_196 : memref<1x16x128xf32, #tpu.memory_space<hbm>> -> memref<16x128xf32, #tpu.memory_space<hbm>>
        %dma_wait3A_198 = arith.constant 9984 : i32
        %dma_wait3A_199 = arith.constant 0 : i32
        %dma_wait3A_200 = tpu.memref_slice %arg14[%dma_wait3A_198, %dma_wait3A_199] : memref<10000x128xf32, #tpu.memory_space<vmem_shared>> -> memref<16x128xf32, #tpu.memory_space<vmem_shared>>
        tpu.wait_dma2 semaphore(%run_scoped3A : memref<!tpu.dma_semaphore, #tpu.memory_space<semaphore_mem>>) src(%dma_wait3A_200 : memref<16x128xf32, #tpu.memory_space<vmem_shared>>) dst(%dma_wait3A_197 : memref<16x128xf32, #tpu.memory_space<hbm>>)
        tpu.yield
      }) : () -> ()
    } else {
    }
    return
  }
}

module attributes {stable_mosaic.version = 14 : i64} {
  func.func @_combine(%arg0: i32, %arg1: memref<2x5000x128xf32, #tpu.memory_space<vmem>>, %arg2: memref<5000x128xf32, #tpu.memory_space<vmem>>) attributes {dimension_semantics = [#tpu.dimension_semantics<arbitrary>], iteration_bounds = array<i64: 2>, scalar_prefetch = 0 : i64, scratch_operands = 0 : i64, tpu.core_type = #tpu.core_type<tc>, window_params = [{transform_indices = @transform_0, window_bounds = array<i64: 2, 5000, 128>}, {transform_indices = @transform_1, window_bounds = array<i64: 5000, 128>}]} {
    %get3A = arith.constant 0 : index
    %get3A_0 = arith.constant 0 : index
    %get3A_1 = arith.constant 0 : index
    %get3A_2 = vector.load %arg1[%get3A, %get3A_0, %get3A_1] : memref<2x5000x128xf32, #tpu.memory_space<vmem>>, vector<1x5000x128xf32>
    %get3A_3 = vector.shape_cast %get3A_2 : vector<1x5000x128xf32> to vector<5000x128xf32>
    %get3A_4 = arith.constant 1 : index
    %get3A_5 = arith.constant 0 : index
    %get3A_6 = arith.constant 0 : index
    %get3A_7 = vector.load %arg1[%get3A_4, %get3A_5, %get3A_6] : memref<2x5000x128xf32, #tpu.memory_space<vmem>>, vector<1x5000x128xf32>
    %get3A_8 = vector.shape_cast %get3A_7 : vector<1x5000x128xf32> to vector<5000x128xf32>
    %add3A = arith.addf %get3A_3, %get3A_8 : vector<5000x128xf32>
    %mul3A = arith.constant 0.176776692 : f32
    %mul3A_9 = vector.broadcast %mul3A : f32 to vector<5000x128xf32>
    %mul3A_10 = arith.mulf %add3A, %mul3A_9 : vector<5000x128xf32>
    %swap3A = arith.constant 0 : index
    %swap3A_11 = arith.constant 0 : index
    %swap3A_12 = vector.load %arg2[%swap3A, %swap3A_11] : memref<5000x128xf32, #tpu.memory_space<vmem>>, vector<5000x128xf32>
    tpu.vector_store %arg2[%swap3A, %swap3A_11], %mul3A_10 {strides = array<i32>} : memref<5000x128xf32, #tpu.memory_space<vmem>>, vector<5000x128xf32>,
    return
  }
  func.func @transform_0(%arg0: i32) -> (i32, i32, i32) {
    %c0_i32 = arith.constant 0 : i32
    %c0_i32_0 = arith.constant 0 : i32
    %c0_i32_1 = arith.constant 0 : i32
    return %c0_i32, %arg0, %c0_i32_0 : i32, i32, i32
  }
  func.func @transform_1(%arg0: i32) -> (i32, i32) {
    %c0_i32 = arith.constant 0 : i32
    %c0_i32_0 = arith.constant 0 : i32
    return %arg0, %c0_i32 : i32, i32
  }
}

</mosaic_0001>

<sc_bundles>
// kernel: kernel.4.cloned.1.call-start
scs
__scs_entry_jumppad:
0x0: {  	(pc) =	sbr.rel $0x88, $3  }
0x1: {  	(tag) =	ssettag $0x0;
	lr =	simm.s32 $0x1  }
0x2: {  	[smem:$0x3F9F] =	sst lr;
	_ =	strace $0xD0000000  }
0x3: {  	_ = 	snop  }
0x4: {  	_ = 	snop  }
0x5: {  	_ = 	snop  }
0x6: {  	_ = 	snop  }
0x7: {  	_ = 	snop  }
__scs_overlays_trampoline_lowered:
0x8: {  	[smem:$0x3FAE] =	sst s0  }
0x9: {  	[smem:$0x3FAF] =	sst s1  }
0xa: {  	[smem:$0x3FB0] =	sst s2  }
0xb: {  	[smem:$0x3FB1] =	sst s3  }
0xc: {  	[smem:$0x3FB2] =	sst s4  }
0xd: {  	[smem:$0x3FB3] =	sst s5  }
0xe: {  	[smem:$0x3FB4] =	sst s6  }
0xf: {  	[smem:$0x3FB5] =	sst s7  }
0x10: {  	[smem:$0x3FB6] =	sst s8  }
0x11: {  	[smem:$0x3FB7] =	sst s9;
	s0 =	simm.s32 @!p0 $0x0  }
0x12: {  	s1 =	sld [smem:$0x3F9D];
	s0 =	simm.s32 @p0 $0x1  }
0x13: {  	[smem:$0x3FB8] =	sst s0;
	s0 =	simm.s32 @!p1 $0x0  }
0x14: {  	s2 =	sld [smem:$0x3F9C];
	s0 =	simm.s32 @p1 $0x1  }
0x15: {  	[smem:$0x3FB9] =	sst s0;
	s0 =	simm.s32 @!p2 $0x0  }
0x16: {  	s3 =	sld [smem:$0x3FDB];
	s0 =	simm.s32 @p2 $0x1  }
0x17: {  	s4 =	simm.s32 $0x1BF5;
	[smem:$0x3FBB] =	sst s0  }
0x18: {  	s0 =	sld [smem:$0x3F9E];
	_ =	swait.ge [sflag:s4], $0x0  }
0x19: {  	s7 =	sld [smem:$0x3F9F]  }
0x1a: {  	s8 =	sadd.s32 $0xFFFFE003, lr  }
0x1b: {  	s9 =	sadd.s32 $0xFFFFFEF7, lr;
	s5 =	simm.s32 $0xFFFFFFFF;
	p2 =	slt.u32 s8, $0xFFFFF086  }
0x1c: {  	p1 =	slt.u32 s9, $0xF7A;
	s5 =	simm.s32 @!p2 $0x0  }
0x1d: {  	s5 =	simm.s32 @p1 $0x1;
	p0 =	seq.s32 s7, s2  }
0x1e: {  	s7 =	smul.u32 @!p0 $0xF7A, s2;
	p2 =	seq.s32 @!p0 s5, $0x0  }
0x1f: {  	s9 =	smul.u32 $0xF7A, s1;
	s8 =	simm.s32 @!p0 $0x1BF5;
	p2 =	por !p2, p0  }
0x20: {  	[sflag:s8] =	ssyncset.s32 @!p0 $0xFFFFF086;
	s6 =	sadd.s32 @!p0 s3, s7;
	s7 =	simm.s32 @!p0 $0x108  }
0x21: {  	s3 =	sadd.s32 s3, s9;
	s6 =	sadd.s32 @!p0 $0x88, s6;
	s7 =	simm.s32 @p2 $0x1082  }
0x22: {  	[simem:s7], [sflag:s8] =	dma.local @!p0 [hbm:s6], $0xF7A  }
0x23: {  	s9 =	sor.u32 $0xD0000000, s2;
	s6 =	simm.s32 $0x108;
	_ =	swait.ge @!p0 [sflag:s8], $0x0  }
0x24: {  	s3 =	sadd.s32 $0x88, s3;
	s6 =	simm.s32 @!p1 $0x1082;
	[sflag:s4] =	ssyncset.s32 $0xFFFFF086  }
0x25: {  	[simem:s6], [sflag:s4] =	dma.local [hbm:s3], $0xF7A  }
0x26: {  	[smem:$0x3F9F] =	sst s1;
	(tag) =	ssettag s2;
	_ =	strace s9  }
0x27: {  	s1 =	sld [smem:$0x3FAF]  }
0x28: {  	s2 =	sld [smem:$0x3FB0]  }
0x29: {  	s4 =	sld [smem:$0x3FB2]  }
0x2a: {  	p0 =	seq.s32 s5, $0x0;
	s5 =	sld [smem:$0x3FB3]  }
0x2b: {  	s6 =	sld [smem:$0x3FB4]  }
0x2c: {  	s7 =	sld [smem:$0x3FB5]  }
0x2d: {  	s3 =	simm.s32 $0x108;
	s8 =	sld [smem:$0x3FB6]  }
0x2e: {  	s3 =	simm.s32 @!p0 $0x1082;
	s9 =	sld [smem:$0x3FB7]  }
0x2f: {  	lr =	sadd.s32 s0, s3;
	s0 =	sld [smem:$0x3FAE]  }
0x30: {  	s3 =	sld [smem:$0x3FB1]  }
0x31: {  	[smem:$0x3FBA] =	sst s10  }
0x32: {  	s10 =	sld [smem:$0x3FB8];
	_ =	sdelay $0x3  }
0x33: {  	p0 =	seq.s32 s10, $0x1;
	s10 =	sld [smem:$0x3FBA];
	_ =	sdelay $0x3  }
0x34: {  	[smem:$0x3FBA] =	sst s10  }
0x35: {  	s10 =	sld [smem:$0x3FB9];
	_ =	sdelay $0x3  }
0x36: {  	p1 =	seq.s32 s10, $0x1;
	s10 =	sld [smem:$0x3FBA];
	_ =	sdelay $0x3  }
0x37: {  	[smem:$0x3FBA] =	sst s10  }
0x38: {  	s10 =	sld [smem:$0x3FBB]  }
0x39: {  	_ = 	snop;
	(pc) =	sbr.ind lr, $3  }
0x3a: {  	_ = 	snop  }
0x3b: {  	_ = 	snop  }
0x3c: {  	p2 =	seq.s32 s10, $0x1;
	s10 =	sld [smem:$0x3FBA]  }
0x3d: {  	_ =	shalt  }
0x3e: {  	_ =	shalt  }
0x3f: {  	_ =	shalt  }
0x40: {  	_ =	shalt  }
0x41: {  	_ =	shalt  }
0x42: {  	_ =	shalt  }
0x43: {  	_ =	shalt  }
0x44: {  	_ =	shalt  }
0x45: {  	_ =	shalt  }
0x46: {  	_ =	shalt  }
0x47: {  	_ =	shalt  }
0x48: {  	_ =	shalt  }
0x49: {  	_ =	shalt  }
0x4a: {  	_ =	shalt  }
0x4b: {  	_ =	shalt  }
0x4c: {  	_ =	shalt  }
0x4d: {  	_ =	shalt  }
0x4e: {  	_ =	shalt  }
0x4f: {  	_ =	shalt  }
0x50: {  	_ =	shalt  }
0x51: {  	_ =	shalt  }
0x52: {  	_ =	shalt  }
0x53: {  	_ =	shalt  }
0x54: {  	_ =	shalt  }
0x55: {  	_ =	shalt  }
0x56: {  	_ =	shalt  }
0x57: {  	_ =	shalt  }
0x58: {  	_ =	shalt  }
0x59: {  	_ =	shalt  }
0x5a: {  	_ =	shalt  }
0x5b: {  	_ =	shalt  }
0x5c: {  	_ =	shalt  }
0x5d: {  	_ =	shalt  }
0x5e: {  	_ =	shalt  }
0x5f: {  	_ =	shalt  }
0x60: {  	_ =	shalt  }
0x61: {  	_ =	shalt  }
0x62: {  	_ =	shalt  }
0x63: {  	_ =	shalt  }
0x64: {  	_ =	shalt  }
0x65: {  	_ =	shalt  }
0x66: {  	_ =	shalt  }
0x67: {  	_ =	shalt  }
0x68: {  	_ =	shalt  }
0x69: {  	_ =	shalt  }
0x6a: {  	_ =	shalt  }
0x6b: {  	_ =	shalt  }
0x6c: {  	_ =	shalt  }
0x6d: {  	_ =	shalt  }
0x6e: {  	_ =	shalt  }
0x6f: {  	_ =	shalt  }
0x70: {  	_ =	shalt  }
0x71: {  	_ =	shalt  }
0x72: {  	_ =	shalt  }
0x73: {  	_ =	shalt  }
0x74: {  	_ =	shalt  }
0x75: {  	_ =	shalt  }
0x76: {  	_ =	shalt  }
0x77: {  	_ =	shalt  }
0x78: {  	_ =	shalt  }
0x79: {  	_ =	shalt  }
0x7a: {  	_ =	shalt  }
0x7b: {  	_ =	shalt  }
0x7c: {  	_ =	shalt  }
0x7d: {  	_ =	shalt  }
0x7e: {  	_ =	shalt  }
0x7f: {  	_ =	shalt  }
0x80: {  	_ =	shalt  }
0x81: {  	_ =	shalt  }
0x82: {  	_ =	shalt  }
0x83: {  	_ =	shalt  }
0x84: {  	_ =	shalt  }
0x85: {  	_ =	shalt  }
0x86: {  	_ =	shalt  }
0x87: {  	_ =	shalt  }
.Lfunc_end0:
.L_simem_size_0:
called_computation_lowered:
.L_overlay_start_0:
0x88: {  	s2 =	sld [smem:$0x3FD9]  }
0x89: {  	s3 =	sld [smem:$0x3FFE];
	_ =	sdelay $0x1  }
0x8a: {  	s1 =	srdreg.scid  }
0x8b: {  	s0 =	sand.u32 $0x1, s1  }
0x8c: {  	s17 =	sshll.u32 s0, $0xA;
	s2 =	sadd.s32 s3, s2  }
0x8d: {  	s2 =	sadd.s32 s2, s17  }
0x8e: {  	[smem:$0x3FC6] =	sst s2  }
0x8f: {  	_ = 	snop  }
0x90: {  	s2 =	sld [smem:$0x3FC9]  }
0x91: {  	s18 =	sld [smem:$0x3FC8];
	(tm) =	ssettm $0x1  }
0x92: {  	s4 =	sld [smem:$0x3FFB];
	_ =	sdelay $0x3  }
0x93: {  	_ =	strace s4  }
0x94: {  	s4 =	sld [smem:$0x3FFC];
	_ =	sdelay $0x3  }
0x95: {  	_ =	strace s4  }
0x96: {  	s4 =	sld [smem:$0x3FFD];
	_ =	sdelay $0x3  }
0x97: {  	_ =	strace s4  }
0x98: {  	_ =	strace $0x8FFFFFFF  }
0x99: {  	s19 =	sld [smem:$0x3FDB];
	_ =	sdelay $0x1  }
0x9a: {  	s5 =	simm.s32 $_scs_section_size  }
0x9b: {  	s6 =	simm.s32 $_size__tile_overlayer_lowered;
	s7 =	simm.s32 $_tile_overlayer_lowered  }
0x9c: {  	s22 =	simm.s32 $0x1BFF;
	s21 =	sshll.u32 s7, $0x1;
	s4 =	sadd.s32 s5, s19  }
0x9d: {  	s8 =	simm.s32 $0x0;
	s20 =	sshll.u32 s6, $0x1;
	s6 =	sadd.s32 s21, s4  }
0x9e: {  	[timem:s8], [sflag:s22] =	dma.local [hbm:s6], s20  }
0x9f: {  	_ =	swait.ge [sflag:s22], s20  }
0xa0: {  	s5 =	ssub.s32 $0x0, s20;
	[sflag:s22] =	ssyncset.done $0x0  }
0xa1: {  	[sflag:s22] =	ssyncadd.s32 s5;
	_ =	sdelay $0x1  }
0xa2: {  	s23 =	simm.s32 $0x1B8B  }
0xa3: {  	_ =	swait.ge [sflag:s23], $0x1  }
0xa4: {  	[sflag:s23] =	ssyncset.done $0x0  }
0xa5: {  	s25 =	simm.s32 $0x1B8E;
	s24 =	sld [smem:$0x3FFE];
	[sflag:s23] =	ssyncadd.s32 $0xFFFFFFFF  }
0xa6: {  	s26 =	simm.s32 $execute0_lowered;
	[smem:$0x3FD2] =	sst s25  }
0xa7: {  	s6 =	sshll.u32 s26, $0x1;
	_ =	strace $0x80000046;
	[dreg:$0x1] =	wrdreg $0xFFFFFFFF  }
0xa8: {  	s28 =	simm.s32 $_size_execute0_lowered;
	s4 =	sadd.s32 s4, s6;
	[dreg:$0x0] =	wrdreg $0x0  }
0xa9: {  	s6 =	sshll.u32 s28, $0x1;
	[dreg:$0x2] =	wrdreg s4  }
0xaa: {  	[dreg:$0x3] =	wrdreg s6  }
0xab: {  	[dreg:$0x4] =	wrdreg $0xC0  }
0xac: {  	_ =	task [dreg:s8], $0x5FFFF  }
0xad: {  	[dreg:$0x1] =	wrdreg $0xFFFFFFFF  }
0xae: {  	[dreg:$0x0] =	wrdreg $0x60  }
0xaf: {  	[dreg:$0x2] =	wrdreg s2  }
0xb0: {  	[dreg:$0x3] =	wrdreg s18  }
0xb1: {  	[dreg:$0x4] =	wrdreg s24  }
0xb2: {  	[dreg:$0x5] =	wrdreg $0xC2000  }
0xb3: {  	[dreg:$0x6] =	wrdreg $0x9  }
0xb4: {  	_ =	task.clear_ibuf [dreg:s8], $0x7FFFF;
	_ =	strace $0x90000046  }
0xb5: {  	s29 =	simm.s32 $0x9;
	_ =	strace $0x80000048  }
0xb6: {  	_ =	swait.ge [sflag:s29], $0x1  }
0xb7: {  	[sflag:s29] =	ssyncadd.s32 $0xFFFFFFFF  }
0xb8: {  	_ =	strace $0x90000048  }
0xb9: {  	_ =	sfence  }
0xba: {  	s30 =	sld [smem:$0x0];
	_ =	sdelay $0x2  }
0xbb: {  	s31 =	sshll.u32 s1, $0xD;
	s1 =	sshrl.u32 s1, $0x2  }
0xbc: {  	s3 =	sand.u32 $0x4000, s31;
	s1 =	sadd.s32 s1, s30  }
0xbd: {  	s0 =	sor.u32 s3, s0;
	s1 =	sshll.u32 s1, $0x11  }
0xbe: {  	s0 =	sor.u32 s1, s0  }
0xbf: {  	s0 =	sadd.s32 $0x8F2B, s0  }
0xc0: {  	[sflag:s0] =	ssyncadd.remote.s32 $0x1  }
0xc1: {  	_ =	sfence.sel $0xFFFF  }
0xc2: {  	[dreg:$0x0] =	wrdreg $0xFFFFFFFF;
	(pc) =	sbr.abs _section_cstart, $3  }
0xc3: {  	[dreg:$0x1] =	wrdreg $0xFFFFFFFF  }
0xc4: {  	_ =	task.clear_ibuf [dreg:s8], $0x2FFFF;
	_ =	strace $0x9FFFFFFF  }
0xc5: {  	(tm) =	ssettm $0x7FFFFFFF  }
tec
execute0_lowered:
.L_overlay_start_1:
0x0: {  	(tag) =	ssettag $0x1  }
0x1: {  	s1 =	rddreg [dreg:$0x0]  }
0x2: {  	s0 =	rddreg [dreg:$0x1];
	s11 =	stileid.u32  }
0x3: {  	s2 =	srdreg.scid;
	s22 =	smul.u32 $0x4E000, s11  }
0x4: {  	s3 =	rddreg [dreg:$0x2];
	s4 =	simm.s32 $0x0;
	s30 =	smul.u32 $0x13800, s11  }
0x5: {  	s5 =	sand.u32 $0x1, s2;
	s2 =	rddreg [dreg:$0x3];
	s15 =	smul.u32 $0x2710, s11  }
0x6: {  	[smem:$0x7FF] =	sst s4;
	s3 =	sadd.s32 $0x600, s3;
	s28 =	smul.u32 $0x138800, s5  }
0x7: {  	p0 =	sne.s32 s11, $0x0;
	s6 =	sshll.u32 s5, $0x4;
	s14 =	smul.u32 $0x271000, s5  }
0x8: {  	s7 =	ssub.s32 $0x2, s5;
	s5 =	smul.u32 $0x27100, s5;
	s6 =	sor.u32 s11, s6  }
0x9: {  	_ =	strace $0x80000047;
	s9 =	sshrl.u32 s7, $0x1;
	s8 =	smul.u32 $0x2710, s6  }
0xa: {  	s26 =	sshrl.u32 s22, $0x2;
	s6 =	smul.u32 $0x27100, s6;
	s7 =	ssub.s32 s7, s9  }
0xb: {  	s13 =	sadd.s32 s26, s2;
	s5 =	sadd.s32 s15, s5;
	s15 =	simm.s32 $0x2  }
0xc: {  	s29 =	sadd.s32 $0x4000, s13;
	s12 =	sadd.s32 $0x8000, s13;
	s22 =	sadd.s32 $0x190, s5  }
0xd: {  	s26 =	sadd.s32 $0xA000, s13;
	s31 =	sadd.s32 $0x12000, s13;
	s17 =	sshrl.u32 s8, $0x3  }
0xe: {  	s6 =	sadd.s32 s1, s6;
	s18 =	sadd.s32 $0x50, s8;
	[dreg:$0xe] =	wrdreg s29  }
0xf: {  	s10 =	sadd.s32 $0xA0, s8;
	s8 =	sadd.s32 $0xF0, s8;
	[dreg:$0x10] =	wrdreg s12  }
0x10: {  	[dreg:$0x18] =	wrdreg s26;
	s29 =	sadd.s32 $0xE000, s13;
	s12 =	simm.s32 $0x50  }
0x11: {  	s9 =	sadd.s32 s0, s17;
	[dreg:$0x6] =	wrdreg s6;
	s19 =	sshrl.u32 s18, $0x3  }
0x12: {  	s6 =	sshll.u32 s18, $0x4;
	s20 =	sshrl.u32 s10, $0x3;
	s21 =	sshll.u32 s10, $0x4  }
0x13: {  	s24 =	sshrl.u32 s8, $0x3;
	s25 =	sshll.u32 s8, $0x4;
	[dreg:$0x1a] =	wrdreg s29  }
0x14: {  	s8 =	sadd.s32 $0x2000, s13;
	s10 =	sadd.s32 $0x6000, s13;
	[dreg:$0x5] =	wrdreg s9  }
0x15: {  	s17 =	smul.u32 $0x27100, s11;
	s18 =	smax.u32 s7, $0x1;
	[dreg:$0xd] =	wrdreg s8  }
0x16: {  	s7 =	simm.s32 $0x180;
	s11 =	simm.s32 $0x1;
	[dreg:$0xf] =	wrdreg s10  }
0x17: {  	s9 =	sadd.s32 s0, s19;
	s6 =	sadd.s32 s1, s6;
	[dreg:$0x13] =	wrdreg s18  }
0x18: {  	s23 =	sadd.s32 s1, s21;
	s8 =	sadd.s32 s30, s28;
	[dreg:$0x7] =	wrdreg s9  }
0x19: {  	s19 =	sadd.s32 $0x230, s5;
	s30 =	sadd.s32 $0x10000, s13;
	[dreg:$0x8] =	wrdreg s6  }
0x1a: {  	s10 =	simm.s32 $0x5;
	s6 =	sadd.s32 s0, s20;
	[dreg:$0xa] =	wrdreg s23  }
0x1b: {  	s8 =	sshrl.u32 s8, $0x3;
	s20 =	sadd.s32 $0x1E0, s5;
	[dreg:$0x1b] =	wrdreg s30  }
0x1c: {  	s9 =	simm.s32 $0xA200;
	[dreg:$0x9] =	wrdreg s6;
	s6 =	sadd.s32 s0, s24  }
0x1d: {  	s24 =	sshrl.u32 s22, $0x3;
	[dreg:$0xb] =	wrdreg s6;
	s6 =	sadd.s32 s1, s25  }
0x1e: {  	s1 =	sadd.s32 s14, s1;
	s25 =	sadd.s32 $0x140, s5;
	s5 =	simm.s32 $0x80  }
0x1f: {  	s14 =	simm.s32 $0x6;
	[dreg:$0xc] =	wrdreg s6;
	s6 =	sshrl.u32 s28, $0x3  }
0x20: {  	s21 =	sadd.s32 s17, s1;
	s1 =	sshrl.u32 s19, $0x3;
	[dreg:$0x17] =	wrdreg s25  }
0x21: {  	s28 =	sadd.s32 $0xC000, s13;
	s17 =	simm.s32 $0x0;
	s6 =	sadd.s32 s3, s6  }
0x22: {  	s3 =	sadd.s32 s3, s8;
	s1 =	sadd.s32 s1, s0;
	[dreg:$0x19] =	wrdreg s28  }
.Ltmp0:
0x23: {  	s8 =	simm.s32 $0x7A00;
	[dreg:$0x11] =	wrdreg s3;
	(pc) =	sbr.rel .LBB2_1-.Ltmp0, $4  }
0x24: {  	s16 =	sadd.s32 $0x27000, s6;
	s3 =	sshrl.u32 s20, $0x3;
	[dreg:$0x14] =	wrdreg s1  }
0x25: {  	s1 =	sadd.s32 s24, s0;
	s6 =	simm.s32 $0x2A00;
	[dreg:$0x12] =	wrdreg s16  }
0x26: {  	s23 =	sadd.s32 s3, s0;
	[dreg:$0x16] =	wrdreg s1;
	s1 =	sadd.s32 $0x138000, s2  }
0x27: {  	v0 =	vimm.f32 $0.0e+00;
	s3 =	simm.s32 $0x200;
	s16 =	simm.s32 $0x4;
	[dreg:$0x15] =	wrdreg s23  }
.LBB2_6:
0x28: {  	_ =	swait.ge [sflag:s11], $0x50  }
0x29: {  	[sflag:s11] =	ssyncset.done $0x0  }
0x2a: {  	[sflag:s11] =	ssyncadd.s32 $0xFFFFFFB0  }
0x2b: {  	_ =	swait.ge [sflag:s11], $0x2800  }
0x2c: {  	[sflag:s11] =	ssyncset.done $0x0  }
0x2d: {  	[sflag:s11] =	ssyncadd.s32 $0xFFFFD800  }
0x2e: {  	[spmem:s2] =	stream.indirect.scatter.add.f32 [tilespmem:s3], [sflag:$0x6], $0x80, s4, s12, $0xb8;
	[tilespmem:$0x1FA80] =	vst v63  }
0x2f: {  	_ =	swait.ge [sflag:s14], $0x2800  }
0x30: {  	[sflag:s14] =	ssyncset.done $0x0  }
0x31: {  	s18 =	stileid.u32;
	[sflag:s14] =	ssyncadd.s32 $0xFFFFD800  }
0x32: {  	s18 =	sshll.u32 s18, $0x6;
	[bflag:$0x0] =	sbarrier.arrive $0xFFFF  }
0x33: {  	s19 =	sshrl.u32 s13, $0x3;
	s18 =	sor.u32 $0x1C06, s18;
	s20 =	rddreg [dreg:$0x11]  }
0x34: {  	[hbm:s20], [sflag:s18] =	dma.local [spmem:s19], $0x2700  }
0x35: {  	_ =	swait.ge [sflag:s14], $0x2700  }
0x36: {  	[sflag:s14] =	ssyncset.done $0x0  }
0x37: {  	s19 =	sshrl.u32 @!p0 s1, $0x3;
	s20 =	rddreg [dreg:$0x12];
	[sflag:s14] =	ssyncadd.s32 $0xFFFFD900  }
0x38: {  	[hbm:s20], [sflag:s18] =	dma.local @!p0 [spmem:s19], $0x100  }
0x39: {  	s18 =	simm.s32 @!p0 $0x6  }
0x3a: {  	_ =	swait.ge @!p0 [sflag:s18], $0x100  }
0x3b: {  	s17 =	sadd.s32 $0x1, s17;
	s30 =	rddreg [dreg:$0x13]  }
0x3c: {  	p1 =	sne.s32 s17, s30  }
.Ltmp1:
0x3d: {  	_ = 	snop;
	(pc) =	sbr.rel @!p1 .LBB2_7-.Ltmp1, $3  }
0x3e: {  	_ =	sdelay $0x1  }
0x3f: {  	[sflag:s18] =	ssyncset.done @!p0 $0x0  }
0x40: {  	[sflag:s18] =	ssyncadd.s32 @!p0 $0xFFFFFF00  }
.LBB2_1:
0x41: {  	s18 =	rddreg [dreg:$0x5]  }
0x42: {  	[tilespmem:s4], [sflag:$0x1] =	stream.linear.gather [hbm4b:s18+s4], $0x50, $0x38;
	[tilespmem:$0x1FA80] =	vst v63  }
0x43: {  	s22 =	rddreg [dreg:$0x6]  }
0x44: {  	[tilespmem:s3], [sflag:$0x1] =	stream.linear.gather [hbm4b:s22+s4], $0x2800, $0x38;
	[tilespmem:$0x1FA80] =	vst v63  }
0x45: {  	s23 =	rddreg [dreg:$0x7]  }
0x46: {  	[tilespmem:s5], [sflag:$0x2] =	stream.linear.gather [hbm4b:s23+s4], $0x50, $0x38;
	[tilespmem:$0x1FA80] =	vst v63  }
0x47: {  	s24 =	rddreg [dreg:$0x8]  }
0x48: {  	[tilespmem:s6], [sflag:$0x2] =	stream.linear.gather [hbm4b:s24+s4], $0x2800, $0x38;
	[tilespmem:$0x1FA80] =	vst v63  }
0x49: {  	s25 =	rddreg [dreg:$0x9];
	s19 =	simm.s32 $0x100  }
0x4a: {  	[tilespmem:s19], [sflag:$0x3] =	stream.linear.gather [hbm4b:s25+s4], $0x50, $0x38;
	[tilespmem:$0x1FA80] =	vst v63  }
0x4b: {  	s26 =	rddreg [dreg:$0xa];
	s28 =	simm.s32 $0x5200  }
0x4c: {  	[tilespmem:s28], [sflag:$0x3] =	stream.linear.gather [hbm4b:s26+s4], $0x2800, $0x38;
	[tilespmem:$0x1FA80] =	vst v63  }
0x4d: {  	s29 =	rddreg [dreg:$0xb]  }
0x4e: {  	[tilespmem:s7], [sflag:$0x4] =	stream.linear.gather [hbm4b:s29+s4], $0x50, $0x38;
	[tilespmem:$0x1FA80] =	vst v63  }
0x4f: {  	s30 =	rddreg [dreg:$0xc];
	s20 =	simm.s32 $0x200;
	s18 =	simm.s32 $0x0  }
0x50: {  	[tilespmem:s8], [sflag:$0x4] =	stream.linear.gather [hbm4b:s30+s4], $0x2800, $0x38;
	[tilespmem:$0x1FA80] =	vst v63  }
.LBB2_2:
0x51: {  	p1 =	sne.s32 s20, $0x7E00;
	[tilespmem:s18+$0xA270] =	vst v0  }
0x52: {  	[tilespmem:s18+$0xA200] =	vst v0  }
0x53: {  	[tilespmem:s18+$0xA210] =	vst v0  }
.Ltmp2:
0x54: {  	[tilespmem:s18+$0xA220] =	vst v0;
	(pc) =	sbr.rel @p1 .LBB2_2-.Ltmp2, $4  }
0x55: {  	[tilespmem:s18+$0xA230] =	vst v0  }
0x56: {  	[tilespmem:s18+$0xA240] =	vst v0  }
0x57: {  	[tilespmem:s18+$0xA250] =	vst v0  }
0x58: {  	[tilespmem:s18+$0xA260] =	vst v0;
	s18 =	sshra.s32 s20, $0x2;
	s20 =	sadd.s32 $0x200, s20  }
0x59: {  	[tilespmem:s18+$0xA270] =	vst v0  }
0x5a: {  	[tilespmem:s18+$0xA200] =	vst v0  }
0x5b: {  	[tilespmem:s18+$0xA210] =	vst v0  }
0x5c: {  	[tilespmem:s18+$0xA220] =	vst v0  }
0x5d: {  	[tilespmem:s18+$0xA230] =	vst v0  }
0x5e: {  	[tilespmem:s18+$0xA240] =	vst v0  }
0x5f: {  	[tilespmem:s18+$0xA250] =	vst v0  }
0x60: {  	[tilespmem:s18+$0xA260] =	vst v0  }
0x61: {  	[spmem:s13] =	stream.linear.scatter [tilespmem:s9], [sflag:$0x5], $0x2000, $0x38;
	[tilespmem:$0x1FA80] =	vst v63  }
0x62: {  	s22 =	rddreg [dreg:$0xd]  }
0x63: {  	[spmem:s22] =	stream.linear.scatter [tilespmem:s9], [sflag:$0x5], $0x2000, $0x38;
	[tilespmem:$0x1FA80] =	vst v63  }
0x64: {  	s23 =	rddreg [dreg:$0xe]  }
0x65: {  	[spmem:s23] =	stream.linear.scatter [tilespmem:s9], [sflag:$0x5], $0x2000, $0x38;
	[tilespmem:$0x1FA80] =	vst v63  }
0x66: {  	s24 =	rddreg [dreg:$0xf]  }
0x67: {  	[spmem:s24] =	stream.linear.scatter [tilespmem:s9], [sflag:$0x5], $0x2000, $0x38;
	[tilespmem:$0x1FA80] =	vst v63  }
0x68: {  	s25 =	rddreg [dreg:$0x10]  }
0x69: {  	[spmem:s25] =	stream.linear.scatter [tilespmem:s9], [sflag:$0x5], $0x2000, $0x38;
	[tilespmem:$0x1FA80] =	vst v63  }
0x6a: {  	s26 =	rddreg [dreg:$0x18]  }
0x6b: {  	[spmem:s26] =	stream.linear.scatter [tilespmem:s9], [sflag:$0x5], $0x2000, $0x38;
	[tilespmem:$0x1FA80] =	vst v63  }
0x6c: {  	s28 =	rddreg [dreg:$0x19]  }
0x6d: {  	[spmem:s28] =	stream.linear.scatter [tilespmem:s9], [sflag:$0x5], $0x2000, $0x38;
	[tilespmem:$0x1FA80] =	vst v63  }
0x6e: {  	s29 =	rddreg [dreg:$0x1a]  }
0x6f: {  	[spmem:s29] =	stream.linear.scatter [tilespmem:s9], [sflag:$0x5], $0x2000, $0x38;
	[tilespmem:$0x1FA80] =	vst v63  }
0x70: {  	s30 =	rddreg [dreg:$0x1b]  }
0x71: {  	[spmem:s30] =	stream.linear.scatter [tilespmem:s9], [sflag:$0x5], $0x2000, $0x38;
	[tilespmem:$0x1FA80] =	vst v63  }
0x72: {  	_ = 	snop  }
0x73: {  	[spmem:s31] =	stream.linear.scatter [tilespmem:s9], [sflag:$0x5], $0x1800, $0x38;
	[tilespmem:$0x1FA80] =	vst v63  }
0x74: {  	s18 =	simm.s32 @!p0 $0xA200  }
0x75: {  	[spmem:s1] =	stream.linear.scatter @!p0 [tilespmem:s18], [sflag:$0x5], $0x800, $0x38;
	[tilespmem:$0x1FA80] =	vst v63  }
0x76: {  	s18 =	simm.s32 @!p0 $0x5  }
0x77: {  	_ =	swait.ge @!p0 [sflag:s18], $0x800  }
0x78: {  	[sflag:s18] =	ssyncset.done @!p0 $0x0  }
0x79: {  	[sflag:s18] =	ssyncadd.s32 @!p0 $0xFFFFF800  }
0x7a: {  	_ =	swait.ge [sflag:s10], $0x2000  }
0x7b: {  	[sflag:s10] =	ssyncset.done $0x0  }
0x7c: {  	[sflag:s10] =	ssyncadd.s32 $0xFFFFE000  }
0x7d: {  	_ =	swait.ge [sflag:s10], $0x2000  }
0x7e: {  	[sflag:s10] =	ssyncset.done $0x0  }
0x7f: {  	[sflag:s10] =	ssyncadd.s32 $0xFFFFE000  }
0x80: {  	_ =	swait.ge [sflag:s10], $0x2000  }
0x81: {  	[sflag:s10] =	ssyncset.done $0x0  }
0x82: {  	[sflag:s10] =	ssyncadd.s32 $0xFFFFE000  }
0x83: {  	_ =	swait.ge [sflag:s10], $0x2000  }
0x84: {  	[sflag:s10] =	ssyncset.done $0x0  }
0x85: {  	[sflag:s10] =	ssyncadd.s32 $0xFFFFE000  }
0x86: {  	_ =	swait.ge [sflag:s10], $0x2000  }
0x87: {  	[sflag:s10] =	ssyncset.done $0x0  }
0x88: {  	[sflag:s10] =	ssyncadd.s32 $0xFFFFE000  }
0x89: {  	_ =	swait.ge [sflag:s10], $0x2000  }
0x8a: {  	[sflag:s10] =	ssyncset.done $0x0  }
0x8b: {  	[sflag:s10] =	ssyncadd.s32 $0xFFFFE000  }
0x8c: {  	_ =	swait.ge [sflag:s10], $0x2000  }
0x8d: {  	[sflag:s10] =	ssyncset.done $0x0  }
0x8e: {  	[sflag:s10] =	ssyncadd.s32 $0xFFFFE000  }
0x8f: {  	_ =	swait.ge [sflag:s10], $0x2000  }
0x90: {  	[sflag:s10] =	ssyncset.done $0x0  }
0x91: {  	[sflag:s10] =	ssyncadd.s32 $0xFFFFE000  }
0x92: {  	_ =	swait.ge [sflag:s10], $0x2000  }
0x93: {  	[sflag:s10] =	ssyncset.done $0x0  }
0x94: {  	[sflag:s10] =	ssyncadd.s32 $0xFFFFE000  }
0x95: {  	_ =	swait.ge [sflag:s10], $0x1800  }
0x96: {  	[sflag:s10] =	ssyncset.done $0x0  }
0x97: {  	[sflag:s10] =	ssyncadd.s32 $0xFFFFE800  }
0x98: {  	[bflag:$0x0] =	sbarrier.arrive $0xFFFF  }
0x99: {  	s25 =	rddreg [dreg:$0x17]  }
0x9a: {  	s24 =	rddreg [dreg:$0x16]  }
0x9b: {  	s23 =	rddreg [dreg:$0x15]  }
0x9c: {  	s18 =	simm.s32 $0x0;
	s22 =	rddreg [dreg:$0x14]  }
.LBB2_4:
0x9d: {  	_ =	swait.ge [sflag:s11], $0x50  }
0x9e: {  	[sflag:s11] =	ssyncset.done $0x0  }
0x9f: {  	[sflag:s11] =	ssyncadd.s32 $0xFFFFFFB0  }
0xa0: {  	_ =	swait.ge [sflag:s11], $0x2800  }
0xa1: {  	[sflag:s11] =	ssyncset.done $0x0  }
0xa2: {  	[sflag:s11] =	ssyncadd.s32 $0xFFFFD800  }
0xa3: {  	[spmem:s2] =	stream.indirect.scatter.add.f32 [tilespmem:s3], [sflag:$0x6], $0x80, s4, s12, $0xb8;
	[tilespmem:$0x1FA80] =	vst v63  }
0xa4: {  	_ =	swait.ge [sflag:s14], $0x2800  }
0xa5: {  	s20 =	sshrl.u32 s25, $0x3;
	[sflag:s14] =	ssyncset.done $0x0  }
0xa6: {  	s20 =	sadd.s32 s0, s20;
	[sflag:s14] =	ssyncadd.s32 $0xFFFFD800  }
0xa7: {  	[tilespmem:s4], [sflag:$0x1] =	stream.linear.gather [hbm4b:s20+s4], $0x50, $0x38;
	[tilespmem:$0x1FA80] =	vst v63  }
0xa8: {  	s20 =	sadd.s32 s18, s21  }
0xa9: {  	s26 =	sadd.s32 $0x1400, s20  }
0xaa: {  	[tilespmem:s3], [sflag:$0x1] =	stream.linear.gather [hbm4b:s26+s4], $0x2800, $0x38;
	[tilespmem:$0x1FA80] =	vst v63  }
0xab: {  	_ =	swait.ge [sflag:s15], $0x50  }
0xac: {  	[sflag:s15] =	ssyncset.done $0x0  }
0xad: {  	[sflag:s15] =	ssyncadd.s32 $0xFFFFFFB0  }
0xae: {  	_ =	swait.ge [sflag:s15], $0x2800  }
0xaf: {  	[sflag:s15] =	ssyncset.done $0x0  }
0xb0: {  	[sflag:s15] =	ssyncadd.s32 $0xFFFFD800  }
0xb1: {  	[spmem:s2] =	stream.indirect.scatter.add.f32 [tilespmem:s6], [sflag:$0x6], $0x80, s5, s12, $0xb8;
	[tilespmem:$0x1FA80] =	vst v63  }
0xb2: {  	_ =	swait.ge [sflag:s14], $0x2800  }
0xb3: {  	p1 =	seq.s32 s18, $0x25800;
	[sflag:s14] =	ssyncset.done $0x0  }
0xb4: {  	s26 =	simm.s32 @p1 $0x3;
	[sflag:s14] =	ssyncadd.s32 $0xFFFFD800  }
0xb5: {  	_ =	swait.ge @p1 [sflag:s26], $0x50  }
0xb6: {  	[sflag:s26] =	ssyncset.done @p1 $0x0  }
0xb7: {  	[sflag:s26] =	ssyncadd.s32 @p1 $0xFFFFFFB0  }
0xb8: {  	_ =	swait.ge @p1 [sflag:s26], $0x2800  }
0xb9: {  	s19 =	simm.s32 @p1 $0x100;
	[sflag:s26] =	ssyncset.done @p1 $0x0  }
0xba: {  	s28 =	simm.s32 @p1 $0x5200;
	[sflag:s26] =	ssyncadd.s32 @p1 $0xFFFFD800;
	s26 =	simm.s32 @p1 $0x50  }
0xbb: {  	[spmem:s2] =	stream.indirect.scatter.add.f32 @p1 [tilespmem:s28], [sflag:$0x6], $0x80, s19, s26, $0xb8;
	[tilespmem:$0x1FA80] =	vst v63  }
0xbc: {  	s19 =	simm.s32 @p1 $0x6  }
0xbd: {  	_ =	swait.ge @p1 [sflag:s19], $0x2800  }
0xbe: {  	[sflag:s19] =	ssyncset.done @p1 $0x0  }
0xbf: {  	s26 =	simm.s32 @!p1 $0x80;
	[sflag:s19] =	ssyncadd.s32 @p1 $0xFFFFD800;
	s19 =	simm.s32 @!p1 $0x0  }
0xc0: {  	[tilespmem:s26], [sflag:$0x2] =	stream.linear.gather @!p1 [hbm4b:s24+s19], $0x50, $0x38;
	[tilespmem:$0x1FA80] =	vst v63  }
0xc1: {  	s26 =	sadd.s32 @!p1 s18, s21  }
0xc2: {  	s29 =	simm.s32 @!p1 $0x2A00;
	s28 =	sadd.s32 @!p1 $0x1900, s26  }
0xc3: {  	[tilespmem:s29], [sflag:$0x2] =	stream.linear.gather @!p1 [hbm4b:s28+s19], $0x2800, $0x38;
	[tilespmem:$0x1FA80] =	vst v63  }
0xc4: {  	s28 =	simm.s32 @!p1 $0x3  }
0xc5: {  	_ =	swait.ge @!p1 [sflag:s28], $0x50  }
0xc6: {  	[sflag:s28] =	ssyncset.done @!p1 $0x0  }
0xc7: {  	[sflag:s28] =	ssyncadd.s32 @!p1 $0xFFFFFFB0  }
0xc8: {  	_ =	swait.ge @!p1 [sflag:s28], $0x2800  }
0xc9: {  	s30 =	simm.s32 @!p1 $0x5200;
	[sflag:s28] =	ssyncset.done @!p1 $0x0  }
0xca: {  	s29 =	simm.s32 @!p1 $0x100;
	[sflag:s28] =	ssyncadd.s32 @!p1 $0xFFFFD800;
	s28 =	simm.s32 @!p1 $0x50  }
0xcb: {  	[spmem:s2] =	stream.indirect.scatter.add.f32 @!p1 [tilespmem:s30], [sflag:$0x6], $0x80, s29, s28, $0xb8;
	[tilespmem:$0x1FA80] =	vst v63  }
0xcc: {  	s28 =	simm.s32 @!p1 $0x6  }
0xcd: {  	_ =	swait.ge @!p1 [sflag:s28], $0x2800  }
0xce: {  	[sflag:s28] =	ssyncset.done @!p1 $0x0  }
0xcf: {  	[sflag:s28] =	ssyncadd.s32 @!p1 $0xFFFFD800  }
0xd0: {  	[tilespmem:s29], [sflag:$0x3] =	stream.linear.gather @!p1 [hbm4b:s23+s19], $0x50, $0x38;
	[tilespmem:$0x1FA80] =	vst v63  }
0xd1: {  	s26 =	sadd.s32 @!p1 $0x1E00, s26  }
0xd2: {  	[tilespmem:s30], [sflag:$0x3] =	stream.linear.gather @!p1 [hbm4b:s26+s19], $0x2800, $0x38;
	[tilespmem:$0x1FA80] =	vst v63  }
0xd3: {  	_ =	swait.ge [sflag:s16], $0x50  }
0xd4: {  	[sflag:s16] =	ssyncset.done $0x0  }
0xd5: {  	[sflag:s16] =	ssyncadd.s32 $0xFFFFFFB0  }
0xd6: {  	_ =	swait.ge [sflag:s16], $0x2800  }
0xd7: {  	[sflag:s16] =	ssyncset.done $0x0  }
.Ltmp3:
0xd8: {  	[sflag:s16] =	ssyncadd.s32 $0xFFFFD800;
	(pc) =	sbr.rel @p1 .LBB2_6-.Ltmp3, $4  }
0xd9: {  	[spmem:s2] =	stream.indirect.scatter.add.f32 [tilespmem:s8], [sflag:$0x6], $0x80, s7, s12, $0xb8;
	[tilespmem:$0x1FA80] =	vst v63  }
0xda: {  	_ =	swait.ge [sflag:s14], $0x2800  }
0xdb: {  	[sflag:s14] =	ssyncset.done $0x0  }
0xdc: {  	[sflag:s14] =	ssyncadd.s32 $0xFFFFD800  }
.Ltmp4:
0xdd: {  	(pc) =	sbr.rel .LBB2_4-.Ltmp4, $4  }
0xde: {  	[tilespmem:s7], [sflag:$0x4] =	stream.linear.gather [hbm4b:s22+s4], $0x50, $0x38;
	[tilespmem:$0x1FA80] =	vst v63  }
0xdf: {  	s19 =	sadd.s32 $0x2300, s20;
	s18 =	sadd.s32 $0x1400, s18;
	s22 =	sadd.s32 $0x28, s22  }
0xe0: {  	s23 =	sadd.s32 $0x28, s23;
	s24 =	sadd.s32 $0x28, s24;
	s25 =	sadd.s32 $0x140, s25  }
0xe1: {  	[tilespmem:s8], [sflag:$0x4] =	stream.linear.gather [hbm4b:s19+s4], $0x2800, $0x38;
	[tilespmem:$0x1FA80] =	vst v63  }
.LBB2_7:
0xe2: {  	_ =	sfence.sel $0x180000  }
0xe3: {  	[bflag:$0x0] =	sbarrier.arrive $0xFFFF  }
0xe4: {  	_ =	strace $0x90000047  }
0xe5: {  	[bflag:$0x2] =	sbarrier.arrive $0xFFFF  }
0xe6: {  	s0 =	rddreg [dreg:$0x4]  }
0xe7: {  	s0 =	sadd.s32 @!p0 $0x100000, s0  }
0xe8: {  	[sflag:s0] =	ssyncadd.tile.s32 @!p0 $0x1;
	_ =	shalt  }
.Lfunc_end2:
_tile_overlayer_lowered:
.L_overlay_start_2:
0xe9: {  	(tag) =	ssettag $0x2  }
0xea: {  	s0 =	rddreg [dreg:$0x0];
	s2 =	stileid.u32  }
0xeb: {  	s1 =	rddreg [dreg:$0x1];
	p0 =	sne.s32 s2, $0x0  }
0xec: {  	s3 =	rddreg [dreg:$0x2];
	[bflag:$0x3] =	sbarrier.arrive $0xFFFF;
	s2 =	simm.s32 @!p0 $0x1C06  }
0xed: {  	[timem:s3], [sflag:s2] =	dma.local @!p0 [hbm:s0], s1  }
0xee: {  	s0 =	simm.s32 @!p0 $0x6  }
0xef: {  	_ =	swait.ge @!p0 [sflag:s0], s1  }
0xf0: {  	s1 =	ssub.s32 @!p0 $0x0, s1;
	[sflag:s0] =	ssyncset.done @!p0 $0x0  }
0xf1: {  	[sflag:s0] =	ssyncadd.s32 @!p0 s1  }
0xf2: {  	[bflag:$0x3] =	sbarrier.arrive $0xFFFF  }
0xf3: {  	_ =	shalt  }

</sc_bundles>
